<compile_context>
chip_gen: v7x
topology: tpu7x:2x2x1
jax: 0.10.2.dev20260603
libtpu: 0.0.44.dev20260713+nightly
codegen_flags: <defaults>
</compile_context>

<pallas_src>
import functools

import jax
import jax.numpy as jnp
from jax import lax
from jax.experimental import pallas as pl
from jax.experimental.pallas import tpu as pltpu
from jax.experimental.pallas import tpu_sc as plsc

NC = 2
NS = 16
NW = NC * NS
K = 128


def _make_hist(n, nch):
    zr = (n // NS) & ~7
    tail = n - zr * NS
    mesh = plsc.VectorSubcoreMesh(core_axis_name="c", subcore_axis_name="s")

    @functools.partial(
        pl.kernel, mesh=mesh,
        out_type=jax.ShapeDtypeStruct((NC * n,), jnp.float32),
        scratch_types=[
            pltpu.VMEM_SHARED((n,), jnp.float32),
            pltpu.VMEM((nch, K), jnp.int32),
            pltpu.VMEM((K,), jnp.float32),
            pltpu.VMEM((zr,), jnp.float32),
            pltpu.SemaphoreType.DMA,
        ],
    )
    def hist_k(col_hbm, out_hbm, hist_sh, col_v, ones_v, z_v, hsem):
        core = lax.axis_index("c")
        sub = lax.axis_index("s")
        wid = sub * NC + core

        def fill_ones(i, _):
            ones_v[pl.ds(i * 16, 16)] = jnp.ones((16,), jnp.float32)
            return 0
        lax.fori_loop(0, K // 16, fill_ones, 0)

        def fill_zero(i, _):
            z_v[pl.ds(i * 16, 16)] = jnp.zeros((16,), jnp.float32)
            return 0
        lax.fori_loop(0, zr // 16, fill_zero, 0)

        pltpu.sync_copy(z_v, hist_sh.at[pl.ds(sub * zr, zr)])
        if tail:
            @pl.when(sub == 0)
            def _():
                pltpu.sync_copy(z_v.at[pl.ds(0, tail)],
                                hist_sh.at[pl.ds(zr * NS, tail)])
        pltpu.sync_copy(col_hbm.at[wid], col_v)
        plsc.subcore_barrier()

        def body(o, _):
            for q in range(4):
                pltpu.async_copy(ones_v, hist_sh.at[col_v.at[o * 4 + q]],
                                 hsem, add=True)
            for q in range(4):
                pltpu.make_async_copy(
                    ones_v, hist_sh.at[col_v.at[o * 4]], hsem).wait()
            return 0
        lax.fori_loop(0, nch // 4, body, 0)
        rem = nch % 4
        for q in range(rem):
            pltpu.sync_copy(ones_v, hist_sh.at[col_v.at[nch - rem + q]],
                            add=True)
        plsc.subcore_barrier()

        pltpu.sync_copy(hist_sh.at[pl.ds(sub * zr, zr)], z_v)
        pltpu.sync_copy(z_v, out_hbm.at[pl.ds(core * n + sub * zr, zr)])
        if tail:
            @pl.when(sub == 0)
            def _():
                pltpu.sync_copy(hist_sh.at[pl.ds(zr * NS, tail)],
                                z_v.at[pl.ds(0, tail)])
                pltpu.sync_copy(z_v.at[pl.ds(0, tail)],
                                out_hbm.at[pl.ds(core * n + zr * NS, tail)])

    return hist_k


def _make_scatter(n, nch, d):
    NB = 2
    assert nch % (2 * NB) == 0
    hch = nch // 2
    zr = 32
    cr = (n // NS) & ~7
    nz = cr // zr
    zrem = cr - nz * zr
    tail = n - cr * NS
    mesh = plsc.VectorSubcoreMesh(core_axis_name="c", subcore_axis_name="s")

    @functools.partial(
        pl.kernel, mesh=mesh,
        out_type=jax.ShapeDtypeStruct((NC, n, d), jnp.float32),
        scratch_types=[
            pltpu.VMEM_SHARED((n, d), jnp.float32),
            pltpu.VMEM((hch, K), jnp.int32),
            pltpu.VMEM((hch, K), jnp.int32),
            pltpu.VMEM((NB, K, d), jnp.float32),
            pltpu.VMEM((zr, d), jnp.float32),
            [pltpu.SemaphoreType.DMA] * NB,
        ],
    )
    def scat_k(xs_hbm, row_hbm, col_hbm, out_hbm,
               acc_sh, row_v, col_v, bufs, z_v, sems):
        core = lax.axis_index("c")
        sub = lax.axis_index("s")
        wid = sub * NC + core

        def zfill(r, _):
            for l in range(d // 16):
                z_v[r, pl.ds(l * 16, 16)] = jnp.zeros((16,), jnp.float32)
            return 0
        lax.fori_loop(0, zr, zfill, 0)

        def zcopy(j, _):
            pltpu.async_copy(z_v, acc_sh.at[pl.ds(sub * cr + j * zr, zr)],
                             sems[0])
            return 0
        lax.fori_loop(0, nz, zcopy, 0)
        if zrem:
            pltpu.sync_copy(z_v.at[pl.ds(0, zrem)],
                            acc_sh.at[pl.ds(sub * cr + nz * zr, zrem)])
        if tail:
            @pl.when(sub == 0)
            def _():
                pltpu.sync_copy(z_v.at[pl.ds(0, tail)],
                                acc_sh.at[pl.ds(cr * NS, tail)])
        pltpu.sync_copy(row_hbm.at[wid, pl.ds(0, hch)], row_v)
        pltpu.sync_copy(col_hbm.at[wid, pl.ds(0, hch)], col_v)

        def zdrain(j, _):
            pltpu.make_async_copy(
                z_v, acc_sh.at[pl.ds(sub * cr, zr)], sems[0]).wait()
            return 0
        lax.fori_loop(0, nz, zdrain, 0)
        plsc.subcore_barrier()

        for h in range(2):
            if h:
                pltpu.sync_copy(row_hbm.at[wid, pl.ds(h * hch, hch)], row_v)
                pltpu.sync_copy(col_hbm.at[wid, pl.ds(h * hch, hch)], col_v)

            for b in range(NB):
                pltpu.async_copy(xs_hbm.at[row_v.at[b]], bufs.at[b], sems[b])

            def body(o, _):
                for b in range(NB):
                    g = o * NB + b
                    pltpu.make_async_copy(
                        xs_hbm.at[row_v.at[g]], bufs.at[b], sems[b]).wait()
                    pltpu.sync_copy(bufs.at[b], acc_sh.at[col_v.at[g]],
                                    add=True)

                    @pl.when(g + NB < hch)
                    def _():
                        pltpu.async_copy(
                            xs_hbm.at[row_v.at[g + NB]], bufs.at[b], sems[b])
                return 0
            lax.fori_loop(0, hch // NB, body, 0)
        plsc.subcore_barrier()

        pltpu.sync_copy(acc_sh.at[pl.ds(sub * cr, cr)],
                        out_hbm.at[core, pl.ds(sub * cr, cr)])
        if tail:
            @pl.when(sub == 0)
            def _():
                pltpu.sync_copy(acc_sh.at[pl.ds(cr * NS, tail)],
                                out_hbm.at[core, pl.ds(cr * NS, tail)])

    return scat_k


def _make_prep(n, d, bn, n_pad, pad):
    nb = n_pad // bn

    def prep_k(x_ref, hist_ref, wl_ref, fcw_ref, w1_ref, b1_ref, w2_ref,
               b2_ref, alpha_ref, fcb_ref, xs_ref, s_ref, wcs_ref, rv_ref,
               acc):
        i = pl.program_id(0)
        gri = i * bn + lax.broadcasted_iota(jnp.int32, (bn, 1), 0)
        deg = (jnp.sum(hist_ref[0], axis=1, keepdims=True)
               - jnp.where(gri < pad, 1.0, 0.0))
        s = jnp.where(deg > 0.0, lax.rsqrt(jnp.maximum(deg, 1e-30)), 0.0)
        valid = gri < n
        xb = jnp.where(valid, x_ref[...], 0.0)
        xs_ref[...] = jnp.where(valid, xb * s, 0.0)
        s_ref[...] = s

        psum = jnp.sum(xb, axis=0, keepdims=True)

        @pl.when(i == 0)
        def _():
            acc[0:1, :] = psum

        @pl.when(i > 0)
        def _():
            acc[0:1, :] = acc[0:1, :] + psum

        @pl.when(i == nb - 1)
        def _():
            mean = acc[0:1, :] * (1.0 / n)
            sig = jax.nn.sigmoid(alpha_ref[...])
            cdims = (((1,), (1,)), ((), ()))
            h = jnp.maximum(
                lax.dot_general(mean, w1_ref[...], cdims,
                                preferred_element_type=jnp.float32)
                + b1_ref[...], 0.0)
            g = lax.dot_general(h, w2_ref[...], cdims,
                                preferred_element_type=jnp.float32) + b2_ref[...]
            gf = lax.dot_general(g, fcw_ref[...], cdims,
                                 preferred_element_type=jnp.float32)
            rv_ref[...] = (1.0 - sig) * gf + fcb_ref[...]
            wcs_ref[...] = sig * lax.dot_general(
                wl_ref[...], fcw_ref[...], cdims,
                preferred_element_type=jnp.float32)

    full = lambda i: (0, 0)
    return pl.pallas_call(
        prep_k,
        grid=(nb,),
        in_specs=[
            pl.BlockSpec((bn, d), lambda i: (i, 0)),
            pl.BlockSpec((1, bn, 2), lambda i: (i, 0, 0)),
            pl.BlockSpec((d, d), full),
            pl.BlockSpec((d, d), full),
            pl.BlockSpec((d, d), full),
            pl.BlockSpec((1, d), full),
            pl.BlockSpec((d, d), full),
            pl.BlockSpec((1, d), full),
            pl.BlockSpec((1, 1), full),
            pl.BlockSpec((1, d), full),
        ],
        out_specs=[
            pl.BlockSpec((bn, d), lambda i: (i, 0)),
            pl.BlockSpec((bn, 1), lambda i: (i, 0)),
            pl.BlockSpec((d, d), full),
            pl.BlockSpec((1, d), full),
        ],
        out_shape=[
            jax.ShapeDtypeStruct((n_pad, d), jnp.float32),
            jax.ShapeDtypeStruct((n_pad, 1), jnp.float32),
            jax.ShapeDtypeStruct((d, d), jnp.float32),
            jax.ShapeDtypeStruct((1, d), jnp.float32),
        ],
        scratch_shapes=[pltpu.VMEM((8, d), jnp.float32)],
    )


def _make_final(n, d, bn):
    nb = n // bn

    def fin_k(acc_ref, s_ref, wcs_ref, rv_ref, out_ref):
        a = (acc_ref[0] + acc_ref[1]) * s_ref[...]
        out_ref[...] = jnp.dot(a, wcs_ref[...],
                               preferred_element_type=jnp.float32) + rv_ref[...]

    full = lambda i: (0, 0)
    return pl.pallas_call(
        fin_k,
        grid=(nb,),
        in_specs=[
            pl.BlockSpec((NC, bn, d), lambda i: (0, i, 0)),
            pl.BlockSpec((bn, 1), lambda i: (i, 0)),
            pl.BlockSpec((d, d), full),
            pl.BlockSpec((1, d), full),
        ],
        out_specs=pl.BlockSpec((bn, d), lambda i: (i, 0)),
        out_shape=jax.ShapeDtypeStruct((n, d), jnp.float32),
    )


def kernel(x, edge_index, weight_local, w1, b1, w2, b2, alpha, fc_w, fc_b):
    n, d = x.shape
    e = edge_index.shape[1]
    bn = 2000
    bp = 2016
    n_pad = -(-n // bp) * bp

    row = edge_index[0].astype(jnp.int32)
    col = edge_index[1].astype(jnp.int32)

    nch = -(-e // (NW * K))
    nch += (-nch) % 4
    e_pad = NW * K * nch
    pad = e_pad - e
    assert pad < n and n + 8 <= n_pad
    if pad:
        ar = jnp.arange(pad, dtype=jnp.int32)
        row_d = n + (ar % (n_pad - n))
        col_d = ar % n
        if e % NW == 0 and pad % NW == 0:
            row_p = jnp.concatenate(
                [row.reshape(NW, -1), row_d.reshape(NW, -1)], axis=1)
            col_p = jnp.concatenate(
                [col.reshape(NW, -1), col_d.reshape(NW, -1)], axis=1)
            row3 = row_p.reshape(NW, nch, K)
            col3 = col_p.reshape(NW, nch, K)
        else:
            row3 = jnp.concatenate([row, row_d]).reshape(NW, nch, K)
            col3 = jnp.concatenate([col, col_d]).reshape(NW, nch, K)
    else:
        row3 = row.reshape(NW, nch, K)
        col3 = col.reshape(NW, nch, K)

    hists = _make_hist(n, nch)(col3).reshape(NC, n)
    histt = jnp.concatenate(
        [jnp.transpose(hists),
         jnp.zeros((n_pad - n, NC), jnp.float32)]).reshape(-1, bp, NC)

    xs, s, wcs, rv = _make_prep(n, d, bp, n_pad, pad)(
        x, histt, weight_local, fc_w, w1, b1.reshape(1, d), w2,
        b2.reshape(1, d), alpha.reshape(1, 1), fc_b.reshape(1, d))

    accp = _make_scatter(n, nch, d)(xs, row3, col3)

    return _make_final(n, d, bn)(accp, s, wcs, rv)

# --- scband reference (transcript-rebuilt; emitter-appended) ---
"""Pipeline reference for scband-combined-virtual-node-env-encoder-2602750181779 (READ-ONLY COPY).

The authoritative reference and input builder live on the scoring server;
editing this copy changes nothing except your own understanding.
"""

import jax, jax.numpy as jnp
import numpy as np

N = 10000
E = 320000
D_IN = 128
D_OUT = 128


def setup_inputs(seed: int = 0) -> dict:
    key = jax.random.key(seed)
    ks = jax.random.split(key, 10)
    x = jax.random.normal(ks[0], (N, D_IN), dtype=jnp.float32)
    edge_index = jax.random.randint(ks[1], (2, E), 0, N)
    stdv = 1.0 / np.sqrt(D_IN)
    weight_local = jax.random.uniform(ks[2], (D_IN, D_IN), minval=-stdv, maxval=stdv, dtype=jnp.float32)
    w1 = jax.random.uniform(ks[3], (D_IN, D_IN), minval=-stdv, maxval=stdv, dtype=jnp.float32)
    b1 = jax.random.uniform(ks[4], (D_IN,), minval=-stdv, maxval=stdv, dtype=jnp.float32)
    w2 = jax.random.uniform(ks[5], (D_IN, D_IN), minval=-stdv, maxval=stdv, dtype=jnp.float32)
    b2 = jax.random.uniform(ks[6], (D_IN,), minval=-stdv, maxval=stdv, dtype=jnp.float32)
    alpha = jnp.array(0.0, dtype=jnp.float32)
    fc_w = jax.random.uniform(ks[7], (D_OUT, D_IN), minval=-stdv, maxval=stdv, dtype=jnp.float32)
    fc_b = jax.random.uniform(ks[8], (D_OUT,), minval=-stdv, maxval=stdv, dtype=jnp.float32)
    return {"x": x, "edge_index": edge_index, "weight_local": weight_local,
            "w1": w1, "b1": b1, "w2": w2, "b2": b2, "alpha": alpha,
            "fc_w": fc_w, "fc_b": fc_b}


def gcn_conv(x, edge_index):
    n = x.shape[0]
    row = edge_index[0]
    col = edge_index[1]
    # degree(col, N): count of incoming edges per destination node
    d = jnp.zeros((n,), dtype=jnp.float32).at[col].add(1.0)
    d_norm_in = jnp.sqrt(1.0 / d[col])
    d_norm_out = jnp.sqrt(1.0 / d[row])
    value = d_norm_in * d_norm_out
    value = jnp.nan_to_num(value, nan=0.0, posinf=0.0, neginf=0.0)
    # SparseTensor(row=col, col=row, value) @ x  ==  scatter-add of value * x[row] into col
    msg = value[:, None] * jnp.take(x, row, axis=0)
    out = jnp.zeros_like(x).at[col].add(msg)
    return out


def reference(x, edge_index, weight_local, w1, b1, w2, b2, alpha, fc_w, fc_b):
    hi = gcn_conv(x, edge_index)
    local_embed = hi @ weight_local
    global_pool = jnp.mean(x, axis=0, keepdims=True)
    h = jnp.maximum(global_pool @ w1.T + b1, 0.0)
    g = h @ w2.T + b2
    global_embed = jnp.broadcast_to(g, x.shape)
    weight = jax.nn.sigmoid(alpha)
    combined_embed = weight * local_embed + (1.0 - weight) * global_embed
    return combined_embed @ fc_w.T + fc_b

if __name__ == "__main__":
    import jax
    _d = setup_inputs()
    print(jax.jit(kernel)(*tuple(_d.values())))

</pallas_src>

<mosaic_0001>
#map = affine_map<(d0, d1) -> (0, 0)>
#map1 = affine_map<(d0, d1) -> (0, 0, 0)>
module attributes {stable_mosaic.version = 14 : i64} {
  func.func @scat_k(%arg0: i32, %arg1: i32, %arg2: memref<10080x128xf32, #tpu.memory_space<hbm>>, %arg3: memref<32x80x128xi32, #tpu.memory_space<hbm>>, %arg4: memref<32x80x128xi32, #tpu.memory_space<hbm>>, %arg5: memref<2x10000x128xf32, #tpu.memory_space<hbm>>, %arg6: memref<10000x128xf32, #tpu.memory_space<vmem_shared>>, %arg7: memref<40x128xi32, #tpu.memory_space<vmem>>, %arg8: memref<40x128xi32, #tpu.memory_space<vmem>>, %arg9: memref<2x128x128xf32, #tpu.memory_space<vmem>>, %arg10: memref<32x128xf32, #tpu.memory_space<vmem>>, %arg11: memref<!tpu.dma_semaphore, #tpu.memory_space<semaphore_mem>>, %arg12: memref<!tpu.dma_semaphore, #tpu.memory_space<semaphore_mem>>) attributes {dimension_semantics = [#tpu.dimension_semantics<core_parallel>, #tpu.dimension_semantics<subcore_parallel>], iteration_bounds = array<i64: 2, 16>, scalar_prefetch = 0 : i64, scratch_operands = 7 : i64, tpu.core_type = #tpu.core_type<sc_vector_subcore>, window_params = [{transform_indices = #map}, {transform_indices = #map1}, {transform_indices = #map1}, {transform_indices = #map1}]} {
    %mul3A = arith.constant 2 : i32
    %mul3A_0 = arith.muli %arg1, %mul3A : i32
    %add3A = arith.addi %mul3A_0, %arg0 : i32
    %scan3A = arith.constant 0 : i32
    %scan3A_1 = arith.constant 0 : i32
    %scan3A_2 = arith.constant 32 : i32
    %scan3A_3 = arith.addi %scan3A_1, %scan3A_2 : i32
    %scan3A_4 = arith.constant 1 : i32
    %scan3A_5 = scf.for %scan3A_98 = %scan3A_1 to %scan3A_3 step %scan3A_4 iter_args(%scan3A_99 = %scan3A) -> (i32)  : i32 {
      %broadcast_in_dim3A = arith.constant 0.000000e+00 : f32
      %broadcast_in_dim3A_100 = vector.broadcast %broadcast_in_dim3A : f32 to vector<16xf32>
      %swap3A = arith.index_cast %scan3A_98 : i32 to index
      %swap3A_101 = arith.constant 0 : index
      %swap3A_102 = tpu.vector_load %arg10[%swap3A, %swap3A_101] {strides = array<i32>} : memref<32x128xf32, #tpu.memory_space<vmem>>, vector<1x16xf32>,
      %swap3A_103 = vector.shape_cast %swap3A_102 : vector<1x16xf32> to vector<16xf32>
      %swap3A_104 = vector.shape_cast %broadcast_in_dim3A_100 : vector<16xf32> to vector<1x16xf32>
      tpu.vector_store %arg10[%swap3A, %swap3A_101], %swap3A_104 {strides = array<i32>} : memref<32x128xf32, #tpu.memory_space<vmem>>, vector<1x16xf32>,
      %broadcast_in_dim3A_105 = arith.constant 0.000000e+00 : f32
      %broadcast_in_dim3A_106 = vector.broadcast %broadcast_in_dim3A_105 : f32 to vector<16xf32>
      %swap3A_107 = arith.index_cast %scan3A_98 : i32 to index
      %swap3A_108 = arith.constant 16 : index
      %swap3A_109 = tpu.vector_load %arg10[%swap3A_107, %swap3A_108] {strides = array<i32>} : memref<32x128xf32, #tpu.memory_space<vmem>>, vector<1x16xf32>,
      %swap3A_110 = vector.shape_cast %swap3A_109 : vector<1x16xf32> to vector<16xf32>
      %swap3A_111 = vector.shape_cast %broadcast_in_dim3A_106 : vector<16xf32> to vector<1x16xf32>
      tpu.vector_store %arg10[%swap3A_107, %swap3A_108], %swap3A_111 {strides = array<i32>} : memref<32x128xf32, #tpu.memory_space<vmem>>, vector<1x16xf32>,
      %broadcast_in_dim3A_112 = arith.constant 0.000000e+00 : f32
      %broadcast_in_dim3A_113 = vector.broadcast %broadcast_in_dim3A_112 : f32 to vector<16xf32>
      %swap3A_114 = arith.index_cast %scan3A_98 : i32 to index
      %swap3A_115 = arith.constant 32 : index
      %swap3A_116 = tpu.vector_load %arg10[%swap3A_114, %swap3A_115] {strides = array<i32>} : memref<32x128xf32, #tpu.memory_space<vmem>>, vector<1x16xf32>,
      %swap3A_117 = vector.shape_cast %swap3A_116 : vector<1x16xf32> to vector<16xf32>
      %swap3A_118 = vector.shape_cast %broadcast_in_dim3A_113 : vector<16xf32> to vector<1x16xf32>
      tpu.vector_store %arg10[%swap3A_114, %swap3A_115], %swap3A_118 {strides = array<i32>} : memref<32x128xf32, #tpu.memory_space<vmem>>, vector<1x16xf32>,
      %broadcast_in_dim3A_119 = arith.constant 0.000000e+00 : f32
      %broadcast_in_dim3A_120 = vector.broadcast %broadcast_in_dim3A_119 : f32 to vector<16xf32>
      %swap3A_121 = arith.index_cast %scan3A_98 : i32 to index
      %swap3A_122 = arith.constant 48 : index
      %swap3A_123 = tpu.vector_load %arg10[%swap3A_121, %swap3A_122] {strides = array<i32>} : memref<32x128xf32, #tpu.memory_space<vmem>>, vector<1x16xf32>,
      %swap3A_124 = vector.shape_cast %swap3A_123 : vector<1x16xf32> to vector<16xf32>
      %swap3A_125 = vector.shape_cast %broadcast_in_dim3A_120 : vector<16xf32> to vector<1x16xf32>
      tpu.vector_store %arg10[%swap3A_121, %swap3A_122], %swap3A_125 {strides = array<i32>} : memref<32x128xf32, #tpu.memory_space<vmem>>, vector<1x16xf32>,
      %broadcast_in_dim3A_126 = arith.constant 0.000000e+00 : f32
      %broadcast_in_dim3A_127 = vector.broadcast %broadcast_in_dim3A_126 : f32 to vector<16xf32>
      %swap3A_128 = arith.index_cast %scan3A_98 : i32 to index
      %swap3A_129 = arith.constant 64 : index
      %swap3A_130 = tpu.vector_load %arg10[%swap3A_128, %swap3A_129] {strides = array<i32>} : memref<32x128xf32, #tpu.memory_space<vmem>>, vector<1x16xf32>,
      %swap3A_131 = vector.shape_cast %swap3A_130 : vector<1x16xf32> to vector<16xf32>
      %swap3A_132 = vector.shape_cast %broadcast_in_dim3A_127 : vector<16xf32> to vector<1x16xf32>
      tpu.vector_store %arg10[%swap3A_128, %swap3A_129], %swap3A_132 {strides = array<i32>} : memref<32x128xf32, #tpu.memory_space<vmem>>, vector<1x16xf32>,
      %broadcast_in_dim3A_133 = arith.constant 0.000000e+00 : f32
      %broadcast_in_dim3A_134 = vector.broadcast %broadcast_in_dim3A_133 : f32 to vector<16xf32>
      %swap3A_135 = arith.index_cast %scan3A_98 : i32 to index
      %swap3A_136 = arith.constant 80 : index
      %swap3A_137 = tpu.vector_load %arg10[%swap3A_135, %swap3A_136] {strides = array<i32>} : memref<32x128xf32, #tpu.memory_space<vmem>>, vector<1x16xf32>,
      %swap3A_138 = vector.shape_cast %swap3A_137 : vector<1x16xf32> to vector<16xf32>
      %swap3A_139 = vector.shape_cast %broadcast_in_dim3A_134 : vector<16xf32> to vector<1x16xf32>
      tpu.vector_store %arg10[%swap3A_135, %swap3A_136], %swap3A_139 {strides = array<i32>} : memref<32x128xf32, #tpu.memory_space<vmem>>, vector<1x16xf32>,
      %broadcast_in_dim3A_140 = arith.constant 0.000000e+00 : f32
      %broadcast_in_dim3A_141 = vector.broadcast %broadcast_in_dim3A_140 : f32 to vector<16xf32>
      %swap3A_142 = arith.index_cast %scan3A_98 : i32 to index
      %swap3A_143 = arith.constant 96 : index
      %swap3A_144 = tpu.vector_load %arg10[%swap3A_142, %swap3A_143] {strides = array<i32>} : memref<32x128xf32, #tpu.memory_space<vmem>>, vector<1x16xf32>,
      %swap3A_145 = vector.shape_cast %swap3A_144 : vector<1x16xf32> to vector<16xf32>
      %swap3A_146 = vector.shape_cast %broadcast_in_dim3A_141 : vector<16xf32> to vector<1x16xf32>
      tpu.vector_store %arg10[%swap3A_142, %swap3A_143], %swap3A_146 {strides = array<i32>} : memref<32x128xf32, #tpu.memory_space<vmem>>, vector<1x16xf32>,
      %broadcast_in_dim3A_147 = arith.constant 0.000000e+00 : f32
      %broadcast_in_dim3A_148 = vector.broadcast %broadcast_in_dim3A_147 : f32 to vector<16xf32>
      %swap3A_149 = arith.index_cast %scan3A_98 : i32 to index
      %swap3A_150 = arith.constant 112 : index
      %swap3A_151 = tpu.vector_load %arg10[%swap3A_149, %swap3A_150] {strides = array<i32>} : memref<32x128xf32, #tpu.memory_space<vmem>>, vector<1x16xf32>,
      %swap3A_152 = vector.shape_cast %swap3A_151 : vector<1x16xf32> to vector<16xf32>
      %swap3A_153 = vector.shape_cast %broadcast_in_dim3A_148 : vector<16xf32> to vector<1x16xf32>
      tpu.vector_store %arg10[%swap3A_149, %swap3A_150], %swap3A_153 {strides = array<i32>} : memref<32x128xf32, #tpu.memory_space<vmem>>, vector<1x16xf32>,
      %scan3A_154 = arith.constant 0 : i32
      scf.yield %scan3A_154 : i32
    }
    %scan3A_6 = arith.constant 32 : i32
    %scan3A_7 = arith.constant 0 : i32
    %scan3A_8 = arith.constant 0 : i32
    %scan3A_9 = arith.constant 19 : i32
    %scan3A_10 = arith.addi %scan3A_8, %scan3A_9 : i32
    %scan3A_11 = arith.constant 1 : i32
    %scan3A_12 = scf.for %scan3A_98 = %scan3A_8 to %scan3A_10 step %scan3A_11 iter_args(%scan3A_99 = %scan3A_7) -> (i32)  : i32 {
      %mul3A_100 = arith.constant 624 : i32
      %mul3A_101 = arith.muli %arg1, %mul3A_100 : i32
      %mul3A_102 = arith.constant 32 : i32
      %mul3A_103 = arith.muli %scan3A_98, %mul3A_102 : i32
      %add3A_104 = arith.addi %mul3A_101, %mul3A_103 : i32
      %dma_start3A_105 = arith.constant 0 : i32
      %dma_start3A_106 = tpu.memref_slice %arg6[%add3A_104, %dma_start3A_105] : memref<10000x128xf32, #tpu.memory_space<vmem_shared>> -> memref<32x128xf32, #tpu.memory_space<vmem_shared>>
      %dma_start3A_107 = arith.constant 0 : i32
      %dma_start3A_108 = tpu.memref_slice %arg6[%add3A_104, %dma_start3A_107] : memref<10000x128xf32, #tpu.memory_space<vmem_shared>> -> memref<32x128xf32, #tpu.memory_space<vmem_shared>>
      tpu.enqueue_dma source(%arg10 : memref<32x128xf32, #tpu.memory_space<vmem>>) target(%dma_start3A_108 : memref<32x128xf32, #tpu.memory_space<vmem_shared>>) target_semaphore(%arg11 : memref<!tpu.dma_semaphore, #tpu.memory_space<semaphore_mem>>)
      %scan3A_109 = arith.constant 0 : i32
      scf.yield %scan3A_109 : i32
    }
    %scan3A_13 = arith.constant 19 : i32
    %mul3A_14 = arith.constant 624 : i32
    %mul3A_15 = arith.muli %arg1, %mul3A_14 : i32
    %add3A_16 = arith.constant 608 : i32
    %add3A_17 = arith.addi %mul3A_15, %add3A_16 : i32
    "tpu.region"() ({
      %run_scoped3A = tpu.sem_alloc : memref<!tpu.dma_semaphore, #tpu.memory_space<semaphore_mem>>
      %dma_start3A_98 = arith.constant 0 : i32
      %dma_start3A_99 = arith.constant 0 : i32
      %dma_start3A_100 = tpu.memref_slice %arg10[%dma_start3A_98, %dma_start3A_99] : memref<32x128xf32, #tpu.memory_space<vmem>> -> memref<16x128xf32, #tpu.memory_space<vmem>>
      %dma_start3A_101 = arith.constant 0 : i32
      %dma_start3A_102 = tpu.memref_slice %arg6[%add3A_17, %dma_start3A_101] : memref<10000x128xf32, #tpu.memory_space<vmem_shared>> -> memref<16x128xf32, #tpu.memory_space<vmem_shared>>
      %dma_start3A_103 = arith.constant 0 : i32
      %dma_start3A_104 = tpu.memref_slice %arg6[%add3A_17, %dma_start3A_103] : memref<10000x128xf32, #tpu.memory_space<vmem_shared>> -> memref<16x128xf32, #tpu.memory_space<vmem_shared>>
      %dma_start3A_105 = arith.constant 0 : i32
      %dma_start3A_106 = arith.constant 0 : i32
      %dma_start3A_107 = tpu.memref_slice %arg10[%dma_start3A_105, %dma_start3A_106] : memref<32x128xf32, #tpu.memory_space<vmem>> -> memref<16x128xf32, #tpu.memory_space<vmem>>
      tpu.enqueue_dma source(%dma_start3A_107 : memref<16x128xf32, #tpu.memory_space<vmem>>) target(%dma_start3A_104 : memref<16x128xf32, #tpu.memory_space<vmem_shared>>) target_semaphore(%run_scoped3A : memref<!tpu.dma_semaphore, #tpu.memory_space<semaphore_mem>>)
      %dma_wait3A = arith.constant 0 : i32
      %dma_wait3A_108 = arith.constant 0 : i32
      %dma_wait3A_109 = tpu.memref_slice %arg10[%dma_wait3A, %dma_wait3A_108] : memref<32x128xf32, #tpu.memory_space<vmem>> -> memref<16x128xf32, #tpu.memory_space<vmem>>
      %dma_wait3A_110 = arith.constant 0 : i32
      %dma_wait3A_111 = tpu.memref_slice %arg6[%add3A_17, %dma_wait3A_110] : memref<10000x128xf32, #tpu.memory_space<vmem_shared>> -> memref<16x128xf32, #tpu.memory_space<vmem_shared>>
      %dma_wait3A_112 = arith.constant 0 : i32
      %dma_wait3A_113 = tpu.memref_slice %arg6[%add3A_17, %dma_wait3A_112] : memref<10000x128xf32, #tpu.memory_space<vmem_shared>> -> memref<16x128xf32, #tpu.memory_space<vmem_shared>>
      %dma_wait3A_114 = arith.constant 0 : i32
      %dma_wait3A_115 = arith.constant 0 : i32
      %dma_wait3A_116 = tpu.memref_slice %arg10[%dma_wait3A_114, %dma_wait3A_115] : memref<32x128xf32, #tpu.memory_space<vmem>> -> memref<16x128xf32, #tpu.memory_space<vmem>>
      tpu.wait_dma2 semaphore(%run_scoped3A : memref<!tpu.dma_semaphore, #tpu.memory_space<semaphore_mem>>) src(%dma_wait3A_116 : memref<16x128xf32, #tpu.memory_space<vmem>>) dst(%dma_wait3A_113 : memref<16x128xf32, #tpu.memory_space<vmem_shared>>)
      tpu.yield
    }) : () -> ()
    %eq3A = arith.constant 0 : i32
    %eq3A_18 = arith.cmpi eq, %arg1, %eq3A : i32
    %convert_element_type3A = arith.extui %eq3A_18 : i1 to i32
    %cond3A = arith.constant 0 : i32
    %cond3A_19 = arith.cmpi ne, %convert_element_type3A, %cond3A : i32
    scf.if %cond3A_19 {
      "tpu.region"() ({
        %run_scoped3A = tpu.sem_alloc : memref<!tpu.dma_semaphore, #tpu.memory_space<semaphore_mem>>
        %dma_start3A_98 = arith.constant 0 : i32
        %dma_start3A_99 = arith.constant 0 : i32
        %dma_start3A_100 = tpu.memref_slice %arg10[%dma_start3A_98, %dma_start3A_99] : memref<32x128xf32, #tpu.memory_space<vmem>> -> memref<16x128xf32, #tpu.memory_space<vmem>>
        %dma_start3A_101 = arith.constant 9984 : i32
        %dma_start3A_102 = arith.constant 0 : i32
        %dma_start3A_103 = tpu.memref_slice %arg6[%dma_start3A_101, %dma_start3A_102] : memref<10000x128xf32, #tpu.memory_space<vmem_shared>> -> memref<16x128xf32, #tpu.memory_space<vmem_shared>>
        %dma_start3A_104 = arith.constant 9984 : i32
        %dma_start3A_105 = arith.constant 0 : i32
        %dma_start3A_106 = tpu.memref_slice %arg6[%dma_start3A_104, %dma_start3A_105] : memref<10000x128xf32, #tpu.memory_space<vmem_shared>> -> memref<16x128xf32, #tpu.memory_space<vmem_shared>>
        %dma_start3A_107 = arith.constant 0 : i32
        %dma_start3A_108 = arith.constant 0 : i32
        %dma_start3A_109 = tpu.memref_slice %arg10[%dma_start3A_107, %dma_start3A_108] : memref<32x128xf32, #tpu.memory_space<vmem>> -> memref<16x128xf32, #tpu.memory_space<vmem>>
        tpu.enqueue_dma source(%dma_start3A_109 : memref<16x128xf32, #tpu.memory_space<vmem>>) target(%dma_start3A_106 : memref<16x128xf32, #tpu.memory_space<vmem_shared>>) target_semaphore(%run_scoped3A : memref<!tpu.dma_semaphore, #tpu.memory_space<semaphore_mem>>)
        %dma_wait3A = arith.constant 0 : i32
        %dma_wait3A_110 = arith.constant 0 : i32
        %dma_wait3A_111 = tpu.memref_slice %arg10[%dma_wait3A, %dma_wait3A_110] : memref<32x128xf32, #tpu.memory_space<vmem>> -> memref<16x128xf32, #tpu.memory_space<vmem>>
        %dma_wait3A_112 = arith.constant 9984 : i32
        %dma_wait3A_113 = arith.constant 0 : i32
        %dma_wait3A_114 = tpu.memref_slice %arg6[%dma_wait3A_112, %dma_wait3A_113] : memref<10000x128xf32, #tpu.memory_space<vmem_shared>> -> memref<16x128xf32, #tpu.memory_space<vmem_shared>>
        %dma_wait3A_115 = arith.constant 9984 : i32
        %dma_wait3A_116 = arith.constant 0 : i32
        %dma_wait3A_117 = tpu.memref_slice %arg6[%dma_wait3A_115, %dma_wait3A_116] : memref<10000x128xf32, #tpu.memory_space<vmem_shared>> -> memref<16x128xf32, #tpu.memory_space<vmem_shared>>
        %dma_wait3A_118 = arith.constant 0 : i32
        %dma_wait3A_119 = arith.constant 0 : i32
        %dma_wait3A_120 = tpu.memref_slice %arg10[%dma_wait3A_118, %dma_wait3A_119] : memref<32x128xf32, #tpu.memory_space<vmem>> -> memref<16x128xf32, #tpu.memory_space<vmem>>
        tpu.wait_dma2 semaphore(%run_scoped3A : memref<!tpu.dma_semaphore, #tpu.memory_space<semaphore_mem>>) src(%dma_wait3A_120 : memref<16x128xf32, #tpu.memory_space<vmem>>) dst(%dma_wait3A_117 : memref<16x128xf32, #tpu.memory_space<vmem_shared>>)
        tpu.yield
      }) : () -> ()
    } else {
    }
    "tpu.region"() ({
      %run_scoped3A = tpu.sem_alloc : memref<!tpu.dma_semaphore, #tpu.memory_space<semaphore_mem>>
      %dma_start3A_98 = arith.constant 0 : i32
      %dma_start3A_99 = arith.constant 0 : i32
      %dma_start3A_100 = tpu.memref_slice %arg3[%add3A, %dma_start3A_98, %dma_start3A_99] : memref<32x80x128xi32, #tpu.memory_space<hbm>> -> memref<1x40x128xi32, #tpu.memory_space<hbm>>
      %dma_start3A_101 = tpu.memref_squeeze %dma_start3A_100 : memref<1x40x128xi32, #tpu.memory_space<hbm>> -> memref<40x128xi32, #tpu.memory_space<hbm>>
      %dma_start3A_102 = arith.constant 0 : i32
      %dma_start3A_103 = arith.constant 0 : i32
      %dma_start3A_104 = tpu.memref_slice %arg3[%add3A, %dma_start3A_102, %dma_start3A_103] : memref<32x80x128xi32, #tpu.memory_space<hbm>> -> memref<1x40x128xi32, #tpu.memory_space<hbm>>
      %dma_start3A_105 = tpu.memref_squeeze %dma_start3A_104 : memref<1x40x128xi32, #tpu.memory_space<hbm>> -> memref<40x128xi32, #tpu.memory_space<hbm>>
      tpu.enqueue_dma source(%dma_start3A_105 : memref<40x128xi32, #tpu.memory_space<hbm>>) target(%arg7 : memref<40x128xi32, #tpu.memory_space<vmem>>) target_semaphore(%run_scoped3A : memref<!tpu.dma_semaphore, #tpu.memory_space<semaphore_mem>>)
      %dma_wait3A = arith.constant 0 : i32
      %dma_wait3A_106 = arith.constant 0 : i32
      %dma_wait3A_107 = tpu.memref_slice %arg3[%add3A, %dma_wait3A, %dma_wait3A_106] : memref<32x80x128xi32, #tpu.memory_space<hbm>> -> memref<1x40x128xi32, #tpu.memory_space<hbm>>
      %dma_wait3A_108 = tpu.memref_squeeze %dma_wait3A_107 : memref<1x40x128xi32, #tpu.memory_space<hbm>> -> memref<40x128xi32, #tpu.memory_space<hbm>>
      %dma_wait3A_109 = arith.constant 0 : i32
      %dma_wait3A_110 = arith.constant 0 : i32
      %dma_wait3A_111 = tpu.memref_slice %arg3[%add3A, %dma_wait3A_109, %dma_wait3A_110] : memref<32x80x128xi32, #tpu.memory_space<hbm>> -> memref<1x40x128xi32, #tpu.memory_space<hbm>>
      %dma_wait3A_112 = tpu.memref_squeeze %dma_wait3A_111 : memref<1x40x128xi32, #tpu.memory_space<hbm>> -> memref<40x128xi32, #tpu.memory_space<hbm>>
      tpu.wait_dma2 semaphore(%run_scoped3A : memref<!tpu.dma_semaphore, #tpu.memory_space<semaphore_mem>>) src(%dma_wait3A_112 : memref<40x128xi32, #tpu.memory_space<hbm>>) dst(%arg7 : memref<40x128xi32, #tpu.memory_space<vmem>>)
      tpu.yield
    }) : () -> ()
    "tpu.region"() ({
      %run_scoped3A = tpu.sem_alloc : memref<!tpu.dma_semaphore, #tpu.memory_space<semaphore_mem>>
      %dma_start3A_98 = arith.constant 0 : i32
      %dma_start3A_99 = arith.constant 0 : i32
      %dma_start3A_100 = tpu.memref_slice %arg4[%add3A, %dma_start3A_98, %dma_start3A_99] : memref<32x80x128xi32, #tpu.memory_space<hbm>> -> memref<1x40x128xi32, #tpu.memory_space<hbm>>
      %dma_start3A_101 = tpu.memref_squeeze %dma_start3A_100 : memref<1x40x128xi32, #tpu.memory_space<hbm>> -> memref<40x128xi32, #tpu.memory_space<hbm>>
      %dma_start3A_102 = arith.constant 0 : i32
      %dma_start3A_103 = arith.constant 0 : i32
      %dma_start3A_104 = tpu.memref_slice %arg4[%add3A, %dma_start3A_102, %dma_start3A_103] : memref<32x80x128xi32, #tpu.memory_space<hbm>> -> memref<1x40x128xi32, #tpu.memory_space<hbm>>
      %dma_start3A_105 = tpu.memref_squeeze %dma_start3A_104 : memref<1x40x128xi32, #tpu.memory_space<hbm>> -> memref<40x128xi32, #tpu.memory_space<hbm>>
      tpu.enqueue_dma source(%dma_start3A_105 : memref<40x128xi32, #tpu.memory_space<hbm>>) target(%arg8 : memref<40x128xi32, #tpu.memory_space<vmem>>) target_semaphore(%run_scoped3A : memref<!tpu.dma_semaphore, #tpu.memory_space<semaphore_mem>>)
      %dma_wait3A = arith.constant 0 : i32
      %dma_wait3A_106 = arith.constant 0 : i32
      %dma_wait3A_107 = tpu.memref_slice %arg4[%add3A, %dma_wait3A, %dma_wait3A_106] : memref<32x80x128xi32, #tpu.memory_space<hbm>> -> memref<1x40x128xi32, #tpu.memory_space<hbm>>
      %dma_wait3A_108 = tpu.memref_squeeze %dma_wait3A_107 : memref<1x40x128xi32, #tpu.memory_space<hbm>> -> memref<40x128xi32, #tpu.memory_space<hbm>>
      %dma_wait3A_109 = arith.constant 0 : i32
      %dma_wait3A_110 = arith.constant 0 : i32
      %dma_wait3A_111 = tpu.memref_slice %arg4[%add3A, %dma_wait3A_109, %dma_wait3A_110] : memref<32x80x128xi32, #tpu.memory_space<hbm>> -> memref<1x40x128xi32, #tpu.memory_space<hbm>>
      %dma_wait3A_112 = tpu.memref_squeeze %dma_wait3A_111 : memref<1x40x128xi32, #tpu.memory_space<hbm>> -> memref<40x128xi32, #tpu.memory_space<hbm>>
      tpu.wait_dma2 semaphore(%run_scoped3A : memref<!tpu.dma_semaphore, #tpu.memory_space<semaphore_mem>>) src(%dma_wait3A_112 : memref<40x128xi32, #tpu.memory_space<hbm>>) dst(%arg8 : memref<40x128xi32, #tpu.memory_space<vmem>>)
      tpu.yield
    }) : () -> ()
    %scan3A_20 = arith.constant 0 : i32
    %scan3A_21 = arith.constant 0 : i32
    %scan3A_22 = arith.constant 19 : i32
    %scan3A_23 = arith.addi %scan3A_21, %scan3A_22 : i32
    %scan3A_24 = arith.constant 1 : i32
    %scan3A_25 = scf.for %scan3A_98 = %scan3A_21 to %scan3A_23 step %scan3A_24 iter_args(%scan3A_99 = %scan3A_20) -> (i32)  : i32 {
      %mul3A_100 = arith.constant 624 : i32
      %mul3A_101 = arith.muli %arg1, %mul3A_100 : i32
      %dma_wait3A = arith.constant 0 : i32
      %dma_wait3A_102 = tpu.memref_slice %arg6[%mul3A_101, %dma_wait3A] : memref<10000x128xf32, #tpu.memory_space<vmem_shared>> -> memref<32x128xf32, #tpu.memory_space<vmem_shared>>
      %dma_wait3A_103 = arith.constant 0 : i32
      %dma_wait3A_104 = tpu.memref_slice %arg6[%mul3A_101, %dma_wait3A_103] : memref<10000x128xf32, #tpu.memory_space<vmem_shared>> -> memref<32x128xf32, #tpu.memory_space<vmem_shared>>
      tpu.wait_dma2 semaphore(%arg11 : memref<!tpu.dma_semaphore, #tpu.memory_space<semaphore_mem>>) src(%arg10 : memref<32x128xf32, #tpu.memory_space<vmem>>) dst(%dma_wait3A_104 : memref<32x128xf32, #tpu.memory_space<vmem_shared>>)
      %scan3A_105 = arith.constant 0 : i32
      scf.yield %scan3A_105 : i32
    }
    %scan3A_26 = arith.constant 19 : i32
    %barrier3A = arith.constant 0 : index
    tpu.barrier barrier_id(%barrier3A)
    %dma_start3A = arith.constant 0 : i32
    %dma_start3A_27 = arith.constant 0 : i32
    %dma_start3A_28 = arith.constant 0 : i32
    %dma_start3A_29 = arith.constant 0 : i32
    %dma_start3A_30 = tpu.memref_slice %arg9[%dma_start3A_27, %dma_start3A_28, %dma_start3A_29] : memref<2x128x128xf32, #tpu.memory_space<vmem>> -> memref<1x128x128xf32, #tpu.memory_space<vmem>>
    %dma_start3A_31 = tpu.memref_squeeze %dma_start3A_30 : memref<1x128x128xf32, #tpu.memory_space<vmem>> -> memref<128x128xf32, #tpu.memory_space<vmem>>
    %dma_start3A_32 = arith.constant 0 : i32
    %dma_start3A_33 = tpu.memref_slice %arg7[%dma_start3A, %dma_start3A_32] : memref<40x128xi32, #tpu.memory_space<vmem>> -> memref<1x128xi32, #tpu.memory_space<vmem>>
    %dma_start3A_34 = tpu.memref_squeeze %dma_start3A_33 : memref<1x128xi32, #tpu.memory_space<vmem>> -> memref<128xi32, #tpu.memory_space<vmem>>
    %dma_start3A_35 = arith.constant 0 : i32
    %dma_start3A_36 = arith.constant 0 : i32
    %dma_start3A_37 = tpu.memref_slice %arg2[%dma_start3A_35, %dma_start3A_36] : memref<10080x128xf32, #tpu.memory_space<hbm>> -> memref<10080x128xf32, #tpu.memory_space<hbm>>
    tpu.enqueue_indirect_dma source(%dma_start3A_37 : memref<10080x128xf32, #tpu.memory_space<hbm>>) target(%dma_start3A_31 : memref<128x128xf32, #tpu.memory_space<vmem>>) offsets(%dma_start3A_34 : memref<128xi32, #tpu.memory_space<vmem>>) semaphore(%arg11 : memref<!tpu.dma_semaphore, #tpu.memory_space<semaphore_mem>>)
    %dma_start3A_38 = arith.constant 1 : i32
    %dma_start3A_39 = arith.constant 1 : i32
    %dma_start3A_40 = arith.constant 0 : i32
    %dma_start3A_41 = arith.constant 0 : i32
    %dma_start3A_42 = tpu.memref_slice %arg9[%dma_start3A_39, %dma_start3A_40, %dma_start3A_41] : memref<2x128x128xf32, #tpu.memory_space<vmem>> -> memref<1x128x128xf32, #tpu.memory_space<vmem>>
    %dma_start3A_43 = tpu.memref_squeeze %dma_start3A_42 : memref<1x128x128xf32, #tpu.memory_space<vmem>> -> memref<128x128xf32, #tpu.memory_space<vmem>>
    %dma_start3A_44 = arith.constant 0 : i32
    %dma_start3A_45 = tpu.memref_slice %arg7[%dma_start3A_38, %dma_start3A_44] : memref<40x128xi32, #tpu.memory_space<vmem>> -> memref<1x128xi32, #tpu.memory_space<vmem>>
    %dma_start3A_46 = tpu.memref_squeeze %dma_start3A_45 : memref<1x128xi32, #tpu.memory_space<vmem>> -> memref<128xi32, #tpu.memory_space<vmem>>
    %dma_start3A_47 = arith.constant 0 : i32
    %dma_start3A_48 = arith.constant 0 : i32
    %dma_start3A_49 = tpu.memref_slice %arg2[%dma_start3A_47, %dma_start3A_48] : memref<10080x128xf32, #tpu.memory_space<hbm>> -> memref<10080x128xf32, #tpu.memory_space<hbm>>
    tpu.enqueue_indirect_dma source(%dma_start3A_49 : memref<10080x128xf32, #tpu.memory_space<hbm>>) target(%dma_start3A_43 : memref<128x128xf32, #tpu.memory_space<vmem>>) offsets(%dma_start3A_46 : memref<128xi32, #tpu.memory_space<vmem>>) semaphore(%arg12 : memref<!tpu.dma_semaphore, #tpu.memory_space<semaphore_mem>>)
    %scan3A_50 = arith.constant 0 : i32
    %scan3A_51 = arith.constant 0 : i32
    %scan3A_52 = arith.constant 20 : i32
    %scan3A_53 = arith.addi %scan3A_51, %scan3A_52 : i32
    %scan3A_54 = arith.constant 1 : i32
    %scan3A_55 = scf.for %scan3A_98 = %scan3A_51 to %scan3A_53 step %scan3A_54 iter_args(%scan3A_99 = %scan3A_50) -> (i32)  : i32 {
      %mul3A_100 = arith.constant 2 : i32
      %mul3A_101 = arith.muli %scan3A_98, %mul3A_100 : i32
      %add3A_102 = arith.constant 0 : i32
      %add3A_103 = arith.addi %mul3A_101, %add3A_102 : i32
      %dma_wait3A = arith.constant 0 : i32
      %dma_wait3A_104 = arith.constant 0 : i32
      %dma_wait3A_105 = arith.constant 0 : i32
      %dma_wait3A_106 = tpu.memref_slice %arg9[%dma_wait3A, %dma_wait3A_104, %dma_wait3A_105] : memref<2x128x128xf32, #tpu.memory_space<vmem>> -> memref<1x128x128xf32, #tpu.memory_space<vmem>>
      %dma_wait3A_107 = tpu.memref_squeeze %dma_wait3A_106 : memref<1x128x128xf32, #tpu.memory_space<vmem>> -> memref<128x128xf32, #tpu.memory_space<vmem>>
      %dma_wait3A_108 = arith.constant 0 : i32
      %dma_wait3A_109 = tpu.memref_slice %arg7[%add3A_103, %dma_wait3A_108] : memref<40x128xi32, #tpu.memory_space<vmem>> -> memref<1x128xi32, #tpu.memory_space<vmem>>
      %dma_wait3A_110 = tpu.memref_squeeze %dma_wait3A_109 : memref<1x128xi32, #tpu.memory_space<vmem>> -> memref<128xi32, #tpu.memory_space<vmem>>
      %dma_wait3A_111 = arith.constant 0 : i32
      %dma_wait3A_112 = arith.constant 0 : i32
      %dma_wait3A_113 = tpu.memref_slice %arg2[%dma_wait3A_111, %dma_wait3A_112] : memref<10080x128xf32, #tpu.memory_space<hbm>> -> memref<10080x128xf32, #tpu.memory_space<hbm>>
      tpu.wait_indirect_dma semaphore(%arg11 : memref<!tpu.dma_semaphore, #tpu.memory_space<semaphore_mem>>) src(%dma_wait3A_113 : memref<10080x128xf32, #tpu.memory_space<hbm>>) dst(%dma_wait3A_107 : memref<128x128xf32, #tpu.memory_space<vmem>>)
      %run_scoped3A = arith.constant 0 : i32
      "tpu.region"() ({
        %run_scoped3A_144 = tpu.sem_alloc : memref<!tpu.dma_semaphore, #tpu.memory_space<semaphore_mem>>
        %dma_start3A_145 = arith.constant 0 : i32
        %dma_start3A_146 = arith.constant 0 : i32
        %dma_start3A_147 = tpu.memref_slice %arg9[%run_scoped3A, %dma_start3A_145, %dma_start3A_146] : memref<2x128x128xf32, #tpu.memory_space<vmem>> -> memref<1x128x128xf32, #tpu.memory_space<vmem>>
        %dma_start3A_148 = tpu.memref_squeeze %dma_start3A_147 : memref<1x128x128xf32, #tpu.memory_space<vmem>> -> memref<128x128xf32, #tpu.memory_space<vmem>>
        %dma_start3A_149 = arith.constant 0 : i32
        %dma_start3A_150 = tpu.memref_slice %arg8[%add3A_103, %dma_start3A_149] : memref<40x128xi32, #tpu.memory_space<vmem>> -> memref<1x128xi32, #tpu.memory_space<vmem>>
        %dma_start3A_151 = tpu.memref_squeeze %dma_start3A_150 : memref<1x128xi32, #tpu.memory_space<vmem>> -> memref<128xi32, #tpu.memory_space<vmem>>
        %dma_start3A_152 = arith.constant 0 : i32
        %dma_start3A_153 = arith.constant 0 : i32
        %dma_start3A_154 = tpu.memref_slice %arg6[%dma_start3A_152, %dma_start3A_153] : memref<10000x128xf32, #tpu.memory_space<vmem_shared>> -> memref<10000x128xf32, #tpu.memory_space<vmem_shared>>
        tpu.enqueue_indirect_dma source(%dma_start3A_148 : memref<128x128xf32, #tpu.memory_space<vmem>>) target(%dma_start3A_154 : memref<10000x128xf32, #tpu.memory_space<vmem_shared>>) offsets(%dma_start3A_151 : memref<128xi32, #tpu.memory_space<vmem>>) semaphore(%run_scoped3A_144 : memref<!tpu.dma_semaphore, #tpu.memory_space<semaphore_mem>>) {add = true}
        %dma_wait3A_155 = arith.constant 0 : i32
        %dma_wait3A_156 = arith.constant 0 : i32
        %dma_wait3A_157 = tpu.memref_slice %arg9[%run_scoped3A, %dma_wait3A_155, %dma_wait3A_156] : memref<2x128x128xf32, #tpu.memory_space<vmem>> -> memref<1x128x128xf32, #tpu.memory_space<vmem>>
        %dma_wait3A_158 = tpu.memref_squeeze %dma_wait3A_157 : memref<1x128x128xf32, #tpu.memory_space<vmem>> -> memref<128x128xf32, #tpu.memory_space<vmem>>
        %dma_wait3A_159 = arith.constant 0 : i32
        %dma_wait3A_160 = tpu.memref_slice %arg8[%add3A_103, %dma_wait3A_159] : memref<40x128xi32, #tpu.memory_space<vmem>> -> memref<1x128xi32, #tpu.memory_space<vmem>>
        %dma_wait3A_161 = tpu.memref_squeeze %dma_wait3A_160 : memref<1x128xi32, #tpu.memory_space<vmem>> -> memref<128xi32, #tpu.memory_space<vmem>>
        %dma_wait3A_162 = arith.constant 0 : i32
        %dma_wait3A_163 = arith.constant 0 : i32
        %dma_wait3A_164 = tpu.memref_slice %arg6[%dma_wait3A_162, %dma_wait3A_163] : memref<10000x128xf32, #tpu.memory_space<vmem_shared>> -> memref<10000x128xf32, #tpu.memory_space<vmem_shared>>
        tpu.wait_indirect_dma semaphore(%run_scoped3A_144 : memref<!tpu.dma_semaphore, #tpu.memory_space<semaphore_mem>>) src(%dma_wait3A_158 : memref<128x128xf32, #tpu.memory_space<vmem>>) dst(%dma_wait3A_164 : memref<10000x128xf32, #tpu.memory_space<vmem_shared>>)
        tpu.yield
      }) : () -> ()
      %add3A_114 = arith.constant 2 : i32
      %add3A_115 = arith.addi %add3A_103, %add3A_114 : i32
      %lt3A = arith.constant 40 : i32
      %lt3A_116 = arith.cmpi slt, %add3A_115, %lt3A : i32
      %convert_element_type3A_117 = arith.extui %lt3A_116 : i1 to i32
      %cond3A_118 = arith.constant 0 : i32
      %cond3A_119 = arith.cmpi ne, %convert_element_type3A_117, %cond3A_118 : i32
      scf.if %cond3A_119 {
        %add3A_144 = arith.constant 2 : i32
        %add3A_145 = arith.addi %add3A_103, %add3A_144 : i32
        %dma_start3A_146 = arith.constant 0 : i32
        %dma_start3A_147 = arith.constant 0 : i32
        %dma_start3A_148 = arith.constant 0 : i32
        %dma_start3A_149 = tpu.memref_slice %arg9[%dma_start3A_146, %dma_start3A_147, %dma_start3A_148] : memref<2x128x128xf32, #tpu.memory_space<vmem>> -> memref<1x128x128xf32, #tpu.memory_space<vmem>>
        %dma_start3A_150 = tpu.memref_squeeze %dma_start3A_149 : memref<1x128x128xf32, #tpu.memory_space<vmem>> -> memref<128x128xf32, #tpu.memory_space<vmem>>
        %dma_start3A_151 = arith.constant 0 : i32
        %dma_start3A_152 = tpu.memref_slice %arg7[%add3A_145, %dma_start3A_151] : memref<40x128xi32, #tpu.memory_space<vmem>> -> memref<1x128xi32, #tpu.memory_space<vmem>>
        %dma_start3A_153 = tpu.memref_squeeze %dma_start3A_152 : memref<1x128xi32, #tpu.memory_space<vmem>> -> memref<128xi32, #tpu.memory_space<vmem>>
        %dma_start3A_154 = arith.constant 0 : i32
        %dma_start3A_155 = arith.constant 0 : i32
        %dma_start3A_156 = tpu.memref_slice %arg2[%dma_start3A_154, %dma_start3A_155] : memref<10080x128xf32, #tpu.memory_space<hbm>> -> memref<10080x128xf32, #tpu.memory_space<hbm>>
        tpu.enqueue_indirect_dma source(%dma_start3A_156 : memref<10080x128xf32, #tpu.memory_space<hbm>>) target(%dma_start3A_150 : memref<128x128xf32, #tpu.memory_space<vmem>>) offsets(%dma_start3A_153 : memref<128xi32, #tpu.memory_space<vmem>>) semaphore(%arg11 : memref<!tpu.dma_semaphore, #tpu.memory_space<semaphore_mem>>)
      } else {
      }
      %mul3A_120 = arith.constant 2 : i32
      %mul3A_121 = arith.muli %scan3A_98, %mul3A_120 : i32
      %add3A_122 = arith.constant 1 : i32
      %add3A_123 = arith.addi %mul3A_121, %add3A_122 : i32
      %dma_wait3A_124 = arith.constant 1 : i32
      %dma_wait3A_125 = arith.constant 0 : i32
      %dma_wait3A_126 = arith.constant 0 : i32
      %dma_wait3A_127 = tpu.memref_slice %arg9[%dma_wait3A_124, %dma_wait3A_125, %dma_wait3A_126] : memref<2x128x128xf32, #tpu.memory_space<vmem>> -> memref<1x128x128xf32, #tpu.memory_space<vmem>>
      %dma_wait3A_128 = tpu.memref_squeeze %dma_wait3A_127 : memref<1x128x128xf32, #tpu.memory_space<vmem>> -> memref<128x128xf32, #tpu.memory_space<vmem>>
      %dma_wait3A_129 = arith.constant 0 : i32
      %dma_wait3A_130 = tpu.memref_slice %arg7[%add3A_123, %dma_wait3A_129] : memref<40x128xi32, #tpu.memory_space<vmem>> -> memref<1x128xi32, #tpu.memory_space<vmem>>
      %dma_wait3A_131 = tpu.memref_squeeze %dma_wait3A_130 : memref<1x128xi32, #tpu.memory_space<vmem>> -> memref<128xi32, #tpu.memory_space<vmem>>
      %dma_wait3A_132 = arith.constant 0 : i32
      %dma_wait3A_133 = arith.constant 0 : i32
      %dma_wait3A_134 = tpu.memref_slice %arg2[%dma_wait3A_132, %dma_wait3A_133] : memref<10080x128xf32, #tpu.memory_space<hbm>> -> memref<10080x128xf32, #tpu.memory_space<hbm>>
      tpu.wait_indirect_dma semaphore(%arg12 : memref<!tpu.dma_semaphore, #tpu.memory_space<semaphore_mem>>) src(%dma_wait3A_134 : memref<10080x128xf32, #tpu.memory_space<hbm>>) dst(%dma_wait3A_128 : memref<128x128xf32, #tpu.memory_space<vmem>>)
      %run_scoped3A_135 = arith.constant 1 : i32
      "tpu.region"() ({
        %run_scoped3A_144 = tpu.sem_alloc : memref<!tpu.dma_semaphore, #tpu.memory_space<semaphore_mem>>
        %dma_start3A_145 = arith.constant 0 : i32
        %dma_start3A_146 = arith.constant 0 : i32
        %dma_start3A_147 = tpu.memref_slice %arg9[%run_scoped3A_135, %dma_start3A_145, %dma_start3A_146] : memref<2x128x128xf32, #tpu.memory_space<vmem>> -> memref<1x128x128xf32, #tpu.memory_space<vmem>>
        %dma_start3A_148 = tpu.memref_squeeze %dma_start3A_147 : memref<1x128x128xf32, #tpu.memory_space<vmem>> -> memref<128x128xf32, #tpu.memory_space<vmem>>
        %dma_start3A_149 = arith.constant 0 : i32
        %dma_start3A_150 = tpu.memref_slice %arg8[%add3A_123, %dma_start3A_149] : memref<40x128xi32, #tpu.memory_space<vmem>> -> memref<1x128xi32, #tpu.memory_space<vmem>>
        %dma_start3A_151 = tpu.memref_squeeze %dma_start3A_150 : memref<1x128xi32, #tpu.memory_space<vmem>> -> memref<128xi32, #tpu.memory_space<vmem>>
        %dma_start3A_152 = arith.constant 0 : i32
        %dma_start3A_153 = arith.constant 0 : i32
        %dma_start3A_154 = tpu.memref_slice %arg6[%dma_start3A_152, %dma_start3A_153] : memref<10000x128xf32, #tpu.memory_space<vmem_shared>> -> memref<10000x128xf32, #tpu.memory_space<vmem_shared>>
        tpu.enqueue_indirect_dma source(%dma_start3A_148 : memref<128x128xf32, #tpu.memory_space<vmem>>) target(%dma_start3A_154 : memref<10000x128xf32, #tpu.memory_space<vmem_shared>>) offsets(%dma_start3A_151 : memref<128xi32, #tpu.memory_space<vmem>>) semaphore(%run_scoped3A_144 : memref<!tpu.dma_semaphore, #tpu.memory_space<semaphore_mem>>) {add = true}
        %dma_wait3A_155 = arith.constant 0 : i32
        %dma_wait3A_156 = arith.constant 0 : i32
        %dma_wait3A_157 = tpu.memref_slice %arg9[%run_scoped3A_135, %dma_wait3A_155, %dma_wait3A_156] : memref<2x128x128xf32, #tpu.memory_space<vmem>> -> memref<1x128x128xf32, #tpu.memory_space<vmem>>
        %dma_wait3A_158 = tpu.memref_squeeze %dma_wait3A_157 : memref<1x128x128xf32, #tpu.memory_space<vmem>> -> memref<128x128xf32, #tpu.memory_space<vmem>>
        %dma_wait3A_159 = arith.constant 0 : i32
        %dma_wait3A_160 = tpu.memref_slice %arg8[%add3A_123, %dma_wait3A_159] : memref<40x128xi32, #tpu.memory_space<vmem>> -> memref<1x128xi32, #tpu.memory_space<vmem>>
        %dma_wait3A_161 = tpu.memref_squeeze %dma_wait3A_160 : memref<1x128xi32, #tpu.memory_space<vmem>> -> memref<128xi32, #tpu.memory_space<vmem>>
        %dma_wait3A_162 = arith.constant 0 : i32
        %dma_wait3A_163 = arith.constant 0 : i32
        %dma_wait3A_164 = tpu.memref_slice %arg6[%dma_wait3A_162, %dma_wait3A_163] : memref<10000x128xf32, #tpu.memory_space<vmem_shared>> -> memref<10000x128xf32, #tpu.memory_space<vmem_shared>>
        tpu.wait_indirect_dma semaphore(%run_scoped3A_144 : memref<!tpu.dma_semaphore, #tpu.memory_space<semaphore_mem>>) src(%dma_wait3A_158 : memref<128x128xf32, #tpu.memory_space<vmem>>) dst(%dma_wait3A_164 : memref<10000x128xf32, #tpu.memory_space<vmem_shared>>)
        tpu.yield
      }) : () -> ()
      %add3A_136 = arith.constant 2 : i32
      %add3A_137 = arith.addi %add3A_123, %add3A_136 : i32
      %lt3A_138 = arith.constant 40 : i32
      %lt3A_139 = arith.cmpi slt, %add3A_137, %lt3A_138 : i32
      %convert_element_type3A_140 = arith.extui %lt3A_139 : i1 to i32
      %cond3A_141 = arith.constant 0 : i32
      %cond3A_142 = arith.cmpi ne, %convert_element_type3A_140, %cond3A_141 : i32
      scf.if %cond3A_142 {
        %add3A_144 = arith.constant 2 : i32
        %add3A_145 = arith.addi %add3A_123, %add3A_144 : i32
        %dma_start3A_146 = arith.constant 1 : i32
        %dma_start3A_147 = arith.constant 0 : i32
        %dma_start3A_148 = arith.constant 0 : i32
        %dma_start3A_149 = tpu.memref_slice %arg9[%dma_start3A_146, %dma_start3A_147, %dma_start3A_148] : memref<2x128x128xf32, #tpu.memory_space<vmem>> -> memref<1x128x128xf32, #tpu.memory_space<vmem>>
        %dma_start3A_150 = tpu.memref_squeeze %dma_start3A_149 : memref<1x128x128xf32, #tpu.memory_space<vmem>> -> memref<128x128xf32, #tpu.memory_space<vmem>>
        %dma_start3A_151 = arith.constant 0 : i32
        %dma_start3A_152 = tpu.memref_slice %arg7[%add3A_145, %dma_start3A_151] : memref<40x128xi32, #tpu.memory_space<vmem>> -> memref<1x128xi32, #tpu.memory_space<vmem>>
        %dma_start3A_153 = tpu.memref_squeeze %dma_start3A_152 : memref<1x128xi32, #tpu.memory_space<vmem>> -> memref<128xi32, #tpu.memory_space<vmem>>
        %dma_start3A_154 = arith.constant 0 : i32
        %dma_start3A_155 = arith.constant 0 : i32
        %dma_start3A_156 = tpu.memref_slice %arg2[%dma_start3A_154, %dma_start3A_155] : memref<10080x128xf32, #tpu.memory_space<hbm>> -> memref<10080x128xf32, #tpu.memory_space<hbm>>
        tpu.enqueue_indirect_dma source(%dma_start3A_156 : memref<10080x128xf32, #tpu.memory_space<hbm>>) target(%dma_start3A_150 : memref<128x128xf32, #tpu.memory_space<vmem>>) offsets(%dma_start3A_153 : memref<128xi32, #tpu.memory_space<vmem>>) semaphore(%arg12 : memref<!tpu.dma_semaphore, #tpu.memory_space<semaphore_mem>>)
      } else {
      }
      %scan3A_143 = arith.constant 0 : i32
      scf.yield %scan3A_143 : i32
    }
    %scan3A_56 = arith.constant 20 : i32
    "tpu.region"() ({
      %run_scoped3A = tpu.sem_alloc : memref<!tpu.dma_semaphore, #tpu.memory_space<semaphore_mem>>
      %dma_start3A_98 = arith.constant 40 : i32
      %dma_start3A_99 = arith.constant 0 : i32
      %dma_start3A_100 = tpu.memref_slice %arg3[%add3A, %dma_start3A_98, %dma_start3A_99] : memref<32x80x128xi32, #tpu.memory_space<hbm>> -> memref<1x40x128xi32, #tpu.memory_space<hbm>>
      %dma_start3A_101 = tpu.memref_squeeze %dma_start3A_100 : memref<1x40x128xi32, #tpu.memory_space<hbm>> -> memref<40x128xi32, #tpu.memory_space<hbm>>
      %dma_start3A_102 = arith.constant 40 : i32
      %dma_start3A_103 = arith.constant 0 : i32
      %dma_start3A_104 = tpu.memref_slice %arg3[%add3A, %dma_start3A_102, %dma_start3A_103] : memref<32x80x128xi32, #tpu.memory_space<hbm>> -> memref<1x40x128xi32, #tpu.memory_space<hbm>>
      %dma_start3A_105 = tpu.memref_squeeze %dma_start3A_104 : memref<1x40x128xi32, #tpu.memory_space<hbm>> -> memref<40x128xi32, #tpu.memory_space<hbm>>
      tpu.enqueue_dma source(%dma_start3A_105 : memref<40x128xi32, #tpu.memory_space<hbm>>) target(%arg7 : memref<40x128xi32, #tpu.memory_space<vmem>>) target_semaphore(%run_scoped3A : memref<!tpu.dma_semaphore, #tpu.memory_space<semaphore_mem>>)
      %dma_wait3A = arith.constant 40 : i32
      %dma_wait3A_106 = arith.constant 0 : i32
      %dma_wait3A_107 = tpu.memref_slice %arg3[%add3A, %dma_wait3A, %dma_wait3A_106] : memref<32x80x128xi32, #tpu.memory_space<hbm>> -> memref<1x40x128xi32, #tpu.memory_space<hbm>>
      %dma_wait3A_108 = tpu.memref_squeeze %dma_wait3A_107 : memref<1x40x128xi32, #tpu.memory_space<hbm>> -> memref<40x128xi32, #tpu.memory_space<hbm>>
      %dma_wait3A_109 = arith.constant 40 : i32
      %dma_wait3A_110 = arith.constant 0 : i32
      %dma_wait3A_111 = tpu.memref_slice %arg3[%add3A, %dma_wait3A_109, %dma_wait3A_110] : memref<32x80x128xi32, #tpu.memory_space<hbm>> -> memref<1x40x128xi32, #tpu.memory_space<hbm>>
      %dma_wait3A_112 = tpu.memref_squeeze %dma_wait3A_111 : memref<1x40x128xi32, #tpu.memory_space<hbm>> -> memref<40x128xi32, #tpu.memory_space<hbm>>
      tpu.wait_dma2 semaphore(%run_scoped3A : memref<!tpu.dma_semaphore, #tpu.memory_space<semaphore_mem>>) src(%dma_wait3A_112 : memref<40x128xi32, #tpu.memory_space<hbm>>) dst(%arg7 : memref<40x128xi32, #tpu.memory_space<vmem>>)
      tpu.yield
    }) : () -> ()
    "tpu.region"() ({
      %run_scoped3A = tpu.sem_alloc : memref<!tpu.dma_semaphore, #tpu.memory_space<semaphore_mem>>
      %dma_start3A_98 = arith.constant 40 : i32
      %dma_start3A_99 = arith.constant 0 : i32
      %dma_start3A_100 = tpu.memref_slice %arg4[%add3A, %dma_start3A_98, %dma_start3A_99] : memref<32x80x128xi32, #tpu.memory_space<hbm>> -> memref<1x40x128xi32, #tpu.memory_space<hbm>>
      %dma_start3A_101 = tpu.memref_squeeze %dma_start3A_100 : memref<1x40x128xi32, #tpu.memory_space<hbm>> -> memref<40x128xi32, #tpu.memory_space<hbm>>
      %dma_start3A_102 = arith.constant 40 : i32
      %dma_start3A_103 = arith.constant 0 : i32
      %dma_start3A_104 = tpu.memref_slice %arg4[%add3A, %dma_start3A_102, %dma_start3A_103] : memref<32x80x128xi32, #tpu.memory_space<hbm>> -> memref<1x40x128xi32, #tpu.memory_space<hbm>>
      %dma_start3A_105 = tpu.memref_squeeze %dma_start3A_104 : memref<1x40x128xi32, #tpu.memory_space<hbm>> -> memref<40x128xi32, #tpu.memory_space<hbm>>
      tpu.enqueue_dma source(%dma_start3A_105 : memref<40x128xi32, #tpu.memory_space<hbm>>) target(%arg8 : memref<40x128xi32, #tpu.memory_space<vmem>>) target_semaphore(%run_scoped3A : memref<!tpu.dma_semaphore, #tpu.memory_space<semaphore_mem>>)
      %dma_wait3A = arith.constant 40 : i32
      %dma_wait3A_106 = arith.constant 0 : i32
      %dma_wait3A_107 = tpu.memref_slice %arg4[%add3A, %dma_wait3A, %dma_wait3A_106] : memref<32x80x128xi32, #tpu.memory_space<hbm>> -> memref<1x40x128xi32, #tpu.memory_space<hbm>>
      %dma_wait3A_108 = tpu.memref_squeeze %dma_wait3A_107 : memref<1x40x128xi32, #tpu.memory_space<hbm>> -> memref<40x128xi32, #tpu.memory_space<hbm>>
      %dma_wait3A_109 = arith.constant 40 : i32
      %dma_wait3A_110 = arith.constant 0 : i32
      %dma_wait3A_111 = tpu.memref_slice %arg4[%add3A, %dma_wait3A_109, %dma_wait3A_110] : memref<32x80x128xi32, #tpu.memory_space<hbm>> -> memref<1x40x128xi32, #tpu.memory_space<hbm>>
      %dma_wait3A_112 = tpu.memref_squeeze %dma_wait3A_111 : memref<1x40x128xi32, #tpu.memory_space<hbm>> -> memref<40x128xi32, #tpu.memory_space<hbm>>
      tpu.wait_dma2 semaphore(%run_scoped3A : memref<!tpu.dma_semaphore, #tpu.memory_space<semaphore_mem>>) src(%dma_wait3A_112 : memref<40x128xi32, #tpu.memory_space<hbm>>) dst(%arg8 : memref<40x128xi32, #tpu.memory_space<vmem>>)
      tpu.yield
    }) : () -> ()
    %dma_start3A_57 = arith.constant 0 : i32
    %dma_start3A_58 = arith.constant 0 : i32
    %dma_start3A_59 = arith.constant 0 : i32
    %dma_start3A_60 = arith.constant 0 : i32
    %dma_start3A_61 = tpu.memref_slice %arg9[%dma_start3A_58, %dma_start3A_59, %dma_start3A_60] : memref<2x128x128xf32, #tpu.memory_space<vmem>> -> memref<1x128x128xf32, #tpu.memory_space<vmem>>
    %dma_start3A_62 = tpu.memref_squeeze %dma_start3A_61 : memref<1x128x128xf32, #tpu.memory_space<vmem>> -> memref<128x128xf32, #tpu.memory_space<vmem>>
    %dma_start3A_63 = arith.constant 0 : i32
    %dma_start3A_64 = tpu.memref_slice %arg7[%dma_start3A_57, %dma_start3A_63] : memref<40x128xi32, #tpu.memory_space<vmem>> -> memref<1x128xi32, #tpu.memory_space<vmem>>
    %dma_start3A_65 = tpu.memref_squeeze %dma_start3A_64 : memref<1x128xi32, #tpu.memory_space<vmem>> -> memref<128xi32, #tpu.memory_space<vmem>>
    %dma_start3A_66 = arith.constant 0 : i32
    %dma_start3A_67 = arith.constant 0 : i32
    %dma_start3A_68 = tpu.memref_slice %arg2[%dma_start3A_66, %dma_start3A_67] : memref<10080x128xf32, #tpu.memory_space<hbm>> -> memref<10080x128xf32, #tpu.memory_space<hbm>>
    tpu.enqueue_indirect_dma source(%dma_start3A_68 : memref<10080x128xf32, #tpu.memory_space<hbm>>) target(%dma_start3A_62 : memref<128x128xf32, #tpu.memory_space<vmem>>) offsets(%dma_start3A_65 : memref<128xi32, #tpu.memory_space<vmem>>) semaphore(%arg11 : memref<!tpu.dma_semaphore, #tpu.memory_space<semaphore_mem>>)
    %dma_start3A_69 = arith.constant 1 : i32
    %dma_start3A_70 = arith.constant 1 : i32
    %dma_start3A_71 = arith.constant 0 : i32
    %dma_start3A_72 = arith.constant 0 : i32
    %dma_start3A_73 = tpu.memref_slice %arg9[%dma_start3A_70, %dma_start3A_71, %dma_start3A_72] : memref<2x128x128xf32, #tpu.memory_space<vmem>> -> memref<1x128x128xf32, #tpu.memory_space<vmem>>
    %dma_start3A_74 = tpu.memref_squeeze %dma_start3A_73 : memref<1x128x128xf32, #tpu.memory_space<vmem>> -> memref<128x128xf32, #tpu.memory_space<vmem>>
    %dma_start3A_75 = arith.constant 0 : i32
    %dma_start3A_76 = tpu.memref_slice %arg7[%dma_start3A_69, %dma_start3A_75] : memref<40x128xi32, #tpu.memory_space<vmem>> -> memref<1x128xi32, #tpu.memory_space<vmem>>
    %dma_start3A_77 = tpu.memref_squeeze %dma_start3A_76 : memref<1x128xi32, #tpu.memory_space<vmem>> -> memref<128xi32, #tpu.memory_space<vmem>>
    %dma_start3A_78 = arith.constant 0 : i32
    %dma_start3A_79 = arith.constant 0 : i32
    %dma_start3A_80 = tpu.memref_slice %arg2[%dma_start3A_78, %dma_start3A_79] : memref<10080x128xf32, #tpu.memory_space<hbm>> -> memref<10080x128xf32, #tpu.memory_space<hbm>>
    tpu.enqueue_indirect_dma source(%dma_start3A_80 : memref<10080x128xf32, #tpu.memory_space<hbm>>) target(%dma_start3A_74 : memref<128x128xf32, #tpu.memory_space<vmem>>) offsets(%dma_start3A_77 : memref<128xi32, #tpu.memory_space<vmem>>) semaphore(%arg12 : memref<!tpu.dma_semaphore, #tpu.memory_space<semaphore_mem>>)
    %scan3A_81 = arith.constant 0 : i32
    %scan3A_82 = arith.constant 0 : i32
    %scan3A_83 = arith.constant 20 : i32
    %scan3A_84 = arith.addi %scan3A_82, %scan3A_83 : i32
    %scan3A_85 = arith.constant 1 : i32
    %scan3A_86 = scf.for %scan3A_98 = %scan3A_82 to %scan3A_84 step %scan3A_85 iter_args(%scan3A_99 = %scan3A_81) -> (i32)  : i32 {
      %mul3A_100 = arith.constant 2 : i32
      %mul3A_101 = arith.muli %scan3A_98, %mul3A_100 : i32
      %add3A_102 = arith.constant 0 : i32
      %add3A_103 = arith.addi %mul3A_101, %add3A_102 : i32
      %dma_wait3A = arith.constant 0 : i32
      %dma_wait3A_104 = arith.constant 0 : i32
      %dma_wait3A_105 = arith.constant 0 : i32
      %dma_wait3A_106 = tpu.memref_slice %arg9[%dma_wait3A, %dma_wait3A_104, %dma_wait3A_105] : memref<2x128x128xf32, #tpu.memory_space<vmem>> -> memref<1x128x128xf32, #tpu.memory_space<vmem>>
      %dma_wait3A_107 = tpu.memref_squeeze %dma_wait3A_106 : memref<1x128x128xf32, #tpu.memory_space<vmem>> -> memref<128x128xf32, #tpu.memory_space<vmem>>
      %dma_wait3A_108 = arith.constant 0 : i32
      %dma_wait3A_109 = tpu.memref_slice %arg7[%add3A_103, %dma_wait3A_108] : memref<40x128xi32, #tpu.memory_space<vmem>> -> memref<1x128xi32, #tpu.memory_space<vmem>>
      %dma_wait3A_110 = tpu.memref_squeeze %dma_wait3A_109 : memref<1x128xi32, #tpu.memory_space<vmem>> -> memref<128xi32, #tpu.memory_space<vmem>>
      %dma_wait3A_111 = arith.constant 0 : i32
      %dma_wait3A_112 = arith.constant 0 : i32
      %dma_wait3A_113 = tpu.memref_slice %arg2[%dma_wait3A_111, %dma_wait3A_112] : memref<10080x128xf32, #tpu.memory_space<hbm>> -> memref<10080x128xf32, #tpu.memory_space<hbm>>
      tpu.wait_indirect_dma semaphore(%arg11 : memref<!tpu.dma_semaphore, #tpu.memory_space<semaphore_mem>>) src(%dma_wait3A_113 : memref<10080x128xf32, #tpu.memory_space<hbm>>) dst(%dma_wait3A_107 : memref<128x128xf32, #tpu.memory_space<vmem>>)
      %run_scoped3A = arith.constant 0 : i32
      "tpu.region"() ({
        %run_scoped3A_144 = tpu.sem_alloc : memref<!tpu.dma_semaphore, #tpu.memory_space<semaphore_mem>>
        %dma_start3A_145 = arith.constant 0 : i32
        %dma_start3A_146 = arith.constant 0 : i32
        %dma_start3A_147 = tpu.memref_slice %arg9[%run_scoped3A, %dma_start3A_145, %dma_start3A_146] : memref<2x128x128xf32, #tpu.memory_space<vmem>> -> memref<1x128x128xf32, #tpu.memory_space<vmem>>
        %dma_start3A_148 = tpu.memref_squeeze %dma_start3A_147 : memref<1x128x128xf32, #tpu.memory_space<vmem>> -> memref<128x128xf32, #tpu.memory_space<vmem>>
        %dma_start3A_149 = arith.constant 0 : i32
        %dma_start3A_150 = tpu.memref_slice %arg8[%add3A_103, %dma_start3A_149] : memref<40x128xi32, #tpu.memory_space<vmem>> -> memref<1x128xi32, #tpu.memory_space<vmem>>
        %dma_start3A_151 = tpu.memref_squeeze %dma_start3A_150 : memref<1x128xi32, #tpu.memory_space<vmem>> -> memref<128xi32, #tpu.memory_space<vmem>>
        %dma_start3A_152 = arith.constant 0 : i32
        %dma_start3A_153 = arith.constant 0 : i32
        %dma_start3A_154 = tpu.memref_slice %arg6[%dma_start3A_152, %dma_start3A_153] : memref<10000x128xf32, #tpu.memory_space<vmem_shared>> -> memref<10000x128xf32, #tpu.memory_space<vmem_shared>>
        tpu.enqueue_indirect_dma source(%dma_start3A_148 : memref<128x128xf32, #tpu.memory_space<vmem>>) target(%dma_start3A_154 : memref<10000x128xf32, #tpu.memory_space<vmem_shared>>) offsets(%dma_start3A_151 : memref<128xi32, #tpu.memory_space<vmem>>) semaphore(%run_scoped3A_144 : memref<!tpu.dma_semaphore, #tpu.memory_space<semaphore_mem>>) {add = true}
        %dma_wait3A_155 = arith.constant 0 : i32
        %dma_wait3A_156 = arith.constant 0 : i32
        %dma_wait3A_157 = tpu.memref_slice %arg9[%run_scoped3A, %dma_wait3A_155, %dma_wait3A_156] : memref<2x128x128xf32, #tpu.memory_space<vmem>> -> memref<1x128x128xf32, #tpu.memory_space<vmem>>
        %dma_wait3A_158 = tpu.memref_squeeze %dma_wait3A_157 : memref<1x128x128xf32, #tpu.memory_space<vmem>> -> memref<128x128xf32, #tpu.memory_space<vmem>>
        %dma_wait3A_159 = arith.constant 0 : i32
        %dma_wait3A_160 = tpu.memref_slice %arg8[%add3A_103, %dma_wait3A_159] : memref<40x128xi32, #tpu.memory_space<vmem>> -> memref<1x128xi32, #tpu.memory_space<vmem>>
        %dma_wait3A_161 = tpu.memref_squeeze %dma_wait3A_160 : memref<1x128xi32, #tpu.memory_space<vmem>> -> memref<128xi32, #tpu.memory_space<vmem>>
        %dma_wait3A_162 = arith.constant 0 : i32
        %dma_wait3A_163 = arith.constant 0 : i32
        %dma_wait3A_164 = tpu.memref_slice %arg6[%dma_wait3A_162, %dma_wait3A_163] : memref<10000x128xf32, #tpu.memory_space<vmem_shared>> -> memref<10000x128xf32, #tpu.memory_space<vmem_shared>>
        tpu.wait_indirect_dma semaphore(%run_scoped3A_144 : memref<!tpu.dma_semaphore, #tpu.memory_space<semaphore_mem>>) src(%dma_wait3A_158 : memref<128x128xf32, #tpu.memory_space<vmem>>) dst(%dma_wait3A_164 : memref<10000x128xf32, #tpu.memory_space<vmem_shared>>)
        tpu.yield
      }) : () -> ()
      %add3A_114 = arith.constant 2 : i32
      %add3A_115 = arith.addi %add3A_103, %add3A_114 : i32
      %lt3A = arith.constant 40 : i32
      %lt3A_116 = arith.cmpi slt, %add3A_115, %lt3A : i32
      %convert_element_type3A_117 = arith.extui %lt3A_116 : i1 to i32
      %cond3A_118 = arith.constant 0 : i32
      %cond3A_119 = arith.cmpi ne, %convert_element_type3A_117, %cond3A_118 : i32
      scf.if %cond3A_119 {
        %add3A_144 = arith.constant 2 : i32
        %add3A_145 = arith.addi %add3A_103, %add3A_144 : i32
        %dma_start3A_146 = arith.constant 0 : i32
        %dma_start3A_147 = arith.constant 0 : i32
        %dma_start3A_148 = arith.constant 0 : i32
        %dma_start3A_149 = tpu.memref_slice %arg9[%dma_start3A_146, %dma_start3A_147, %dma_start3A_148] : memref<2x128x128xf32, #tpu.memory_space<vmem>> -> memref<1x128x128xf32, #tpu.memory_space<vmem>>
        %dma_start3A_150 = tpu.memref_squeeze %dma_start3A_149 : memref<1x128x128xf32, #tpu.memory_space<vmem>> -> memref<128x128xf32, #tpu.memory_space<vmem>>
        %dma_start3A_151 = arith.constant 0 : i32
        %dma_start3A_152 = tpu.memref_slice %arg7[%add3A_145, %dma_start3A_151] : memref<40x128xi32, #tpu.memory_space<vmem>> -> memref<1x128xi32, #tpu.memory_space<vmem>>
        %dma_start3A_153 = tpu.memref_squeeze %dma_start3A_152 : memref<1x128xi32, #tpu.memory_space<vmem>> -> memref<128xi32, #tpu.memory_space<vmem>>
        %dma_start3A_154 = arith.constant 0 : i32
        %dma_start3A_155 = arith.constant 0 : i32
        %dma_start3A_156 = tpu.memref_slice %arg2[%dma_start3A_154, %dma_start3A_155] : memref<10080x128xf32, #tpu.memory_space<hbm>> -> memref<10080x128xf32, #tpu.memory_space<hbm>>
        tpu.enqueue_indirect_dma source(%dma_start3A_156 : memref<10080x128xf32, #tpu.memory_space<hbm>>) target(%dma_start3A_150 : memref<128x128xf32, #tpu.memory_space<vmem>>) offsets(%dma_start3A_153 : memref<128xi32, #tpu.memory_space<vmem>>) semaphore(%arg11 : memref<!tpu.dma_semaphore, #tpu.memory_space<semaphore_mem>>)
      } else {
      }
      %mul3A_120 = arith.constant 2 : i32
      %mul3A_121 = arith.muli %scan3A_98, %mul3A_120 : i32
      %add3A_122 = arith.constant 1 : i32
      %add3A_123 = arith.addi %mul3A_121, %add3A_122 : i32
      %dma_wait3A_124 = arith.constant 1 : i32
      %dma_wait3A_125 = arith.constant 0 : i32
      %dma_wait3A_126 = arith.constant 0 : i32
      %dma_wait3A_127 = tpu.memref_slice %arg9[%dma_wait3A_124, %dma_wait3A_125, %dma_wait3A_126] : memref<2x128x128xf32, #tpu.memory_space<vmem>> -> memref<1x128x128xf32, #tpu.memory_space<vmem>>
      %dma_wait3A_128 = tpu.memref_squeeze %dma_wait3A_127 : memref<1x128x128xf32, #tpu.memory_space<vmem>> -> memref<128x128xf32, #tpu.memory_space<vmem>>
      %dma_wait3A_129 = arith.constant 0 : i32
      %dma_wait3A_130 = tpu.memref_slice %arg7[%add3A_123, %dma_wait3A_129] : memref<40x128xi32, #tpu.memory_space<vmem>> -> memref<1x128xi32, #tpu.memory_space<vmem>>
      %dma_wait3A_131 = tpu.memref_squeeze %dma_wait3A_130 : memref<1x128xi32, #tpu.memory_space<vmem>> -> memref<128xi32, #tpu.memory_space<vmem>>
      %dma_wait3A_132 = arith.constant 0 : i32
      %dma_wait3A_133 = arith.constant 0 : i32
      %dma_wait3A_134 = tpu.memref_slice %arg2[%dma_wait3A_132, %dma_wait3A_133] : memref<10080x128xf32, #tpu.memory_space<hbm>> -> memref<10080x128xf32, #tpu.memory_space<hbm>>
      tpu.wait_indirect_dma semaphore(%arg12 : memref<!tpu.dma_semaphore, #tpu.memory_space<semaphore_mem>>) src(%dma_wait3A_134 : memref<10080x128xf32, #tpu.memory_space<hbm>>) dst(%dma_wait3A_128 : memref<128x128xf32, #tpu.memory_space<vmem>>)
      %run_scoped3A_135 = arith.constant 1 : i32
      "tpu.region"() ({
        %run_scoped3A_144 = tpu.sem_alloc : memref<!tpu.dma_semaphore, #tpu.memory_space<semaphore_mem>>
        %dma_start3A_145 = arith.constant 0 : i32
        %dma_start3A_146 = arith.constant 0 : i32
        %dma_start3A_147 = tpu.memref_slice %arg9[%run_scoped3A_135, %dma_start3A_145, %dma_start3A_146] : memref<2x128x128xf32, #tpu.memory_space<vmem>> -> memref<1x128x128xf32, #tpu.memory_space<vmem>>
        %dma_start3A_148 = tpu.memref_squeeze %dma_start3A_147 : memref<1x128x128xf32, #tpu.memory_space<vmem>> -> memref<128x128xf32, #tpu.memory_space<vmem>>
        %dma_start3A_149 = arith.constant 0 : i32
        %dma_start3A_150 = tpu.memref_slice %arg8[%add3A_123, %dma_start3A_149] : memref<40x128xi32, #tpu.memory_space<vmem>> -> memref<1x128xi32, #tpu.memory_space<vmem>>
        %dma_start3A_151 = tpu.memref_squeeze %dma_start3A_150 : memref<1x128xi32, #tpu.memory_space<vmem>> -> memref<128xi32, #tpu.memory_space<vmem>>
        %dma_start3A_152 = arith.constant 0 : i32
        %dma_start3A_153 = arith.constant 0 : i32
        %dma_start3A_154 = tpu.memref_slice %arg6[%dma_start3A_152, %dma_start3A_153] : memref<10000x128xf32, #tpu.memory_space<vmem_shared>> -> memref<10000x128xf32, #tpu.memory_space<vmem_shared>>
        tpu.enqueue_indirect_dma source(%dma_start3A_148 : memref<128x128xf32, #tpu.memory_space<vmem>>) target(%dma_start3A_154 : memref<10000x128xf32, #tpu.memory_space<vmem_shared>>) offsets(%dma_start3A_151 : memref<128xi32, #tpu.memory_space<vmem>>) semaphore(%run_scoped3A_144 : memref<!tpu.dma_semaphore, #tpu.memory_space<semaphore_mem>>) {add = true}
        %dma_wait3A_155 = arith.constant 0 : i32
        %dma_wait3A_156 = arith.constant 0 : i32
        %dma_wait3A_157 = tpu.memref_slice %arg9[%run_scoped3A_135, %dma_wait3A_155, %dma_wait3A_156] : memref<2x128x128xf32, #tpu.memory_space<vmem>> -> memref<1x128x128xf32, #tpu.memory_space<vmem>>
        %dma_wait3A_158 = tpu.memref_squeeze %dma_wait3A_157 : memref<1x128x128xf32, #tpu.memory_space<vmem>> -> memref<128x128xf32, #tpu.memory_space<vmem>>
        %dma_wait3A_159 = arith.constant 0 : i32
        %dma_wait3A_160 = tpu.memref_slice %arg8[%add3A_123, %dma_wait3A_159] : memref<40x128xi32, #tpu.memory_space<vmem>> -> memref<1x128xi32, #tpu.memory_space<vmem>>
        %dma_wait3A_161 = tpu.memref_squeeze %dma_wait3A_160 : memref<1x128xi32, #tpu.memory_space<vmem>> -> memref<128xi32, #tpu.memory_space<vmem>>
        %dma_wait3A_162 = arith.constant 0 : i32
        %dma_wait3A_163 = arith.constant 0 : i32
        %dma_wait3A_164 = tpu.memref_slice %arg6[%dma_wait3A_162, %dma_wait3A_163] : memref<10000x128xf32, #tpu.memory_space<vmem_shared>> -> memref<10000x128xf32, #tpu.memory_space<vmem_shared>>
        tpu.wait_indirect_dma semaphore(%run_scoped3A_144 : memref<!tpu.dma_semaphore, #tpu.memory_space<semaphore_mem>>) src(%dma_wait3A_158 : memref<128x128xf32, #tpu.memory_space<vmem>>) dst(%dma_wait3A_164 : memref<10000x128xf32, #tpu.memory_space<vmem_shared>>)
        tpu.yield
      }) : () -> ()
      %add3A_136 = arith.constant 2 : i32
      %add3A_137 = arith.addi %add3A_123, %add3A_136 : i32
      %lt3A_138 = arith.constant 40 : i32
      %lt3A_139 = arith.cmpi slt, %add3A_137, %lt3A_138 : i32
      %convert_element_type3A_140 = arith.extui %lt3A_139 : i1 to i32
      %cond3A_141 = arith.constant 0 : i32
      %cond3A_142 = arith.cmpi ne, %convert_element_type3A_140, %cond3A_141 : i32
      scf.if %cond3A_142 {
        %add3A_144 = arith.constant 2 : i32
        %add3A_145 = arith.addi %add3A_123, %add3A_144 : i32
        %dma_start3A_146 = arith.constant 1 : i32
        %dma_start3A_147 = arith.constant 0 : i32
        %dma_start3A_148 = arith.constant 0 : i32
        %dma_start3A_149 = tpu.memref_slice %arg9[%dma_start3A_146, %dma_start3A_147, %dma_start3A_148] : memref<2x128x128xf32, #tpu.memory_space<vmem>> -> memref<1x128x128xf32, #tpu.memory_space<vmem>>
        %dma_start3A_150 = tpu.memref_squeeze %dma_start3A_149 : memref<1x128x128xf32, #tpu.memory_space<vmem>> -> memref<128x128xf32, #tpu.memory_space<vmem>>
        %dma_start3A_151 = arith.constant 0 : i32
        %dma_start3A_152 = tpu.memref_slice %arg7[%add3A_145, %dma_start3A_151] : memref<40x128xi32, #tpu.memory_space<vmem>> -> memref<1x128xi32, #tpu.memory_space<vmem>>
        %dma_start3A_153 = tpu.memref_squeeze %dma_start3A_152 : memref<1x128xi32, #tpu.memory_space<vmem>> -> memref<128xi32, #tpu.memory_space<vmem>>
        %dma_start3A_154 = arith.constant 0 : i32
        %dma_start3A_155 = arith.constant 0 : i32
        %dma_start3A_156 = tpu.memref_slice %arg2[%dma_start3A_154, %dma_start3A_155] : memref<10080x128xf32, #tpu.memory_space<hbm>> -> memref<10080x128xf32, #tpu.memory_space<hbm>>
        tpu.enqueue_indirect_dma source(%dma_start3A_156 : memref<10080x128xf32, #tpu.memory_space<hbm>>) target(%dma_start3A_150 : memref<128x128xf32, #tpu.memory_space<vmem>>) offsets(%dma_start3A_153 : memref<128xi32, #tpu.memory_space<vmem>>) semaphore(%arg12 : memref<!tpu.dma_semaphore, #tpu.memory_space<semaphore_mem>>)
      } else {
      }
      %scan3A_143 = arith.constant 0 : i32
      scf.yield %scan3A_143 : i32
    }
    %scan3A_87 = arith.constant 20 : i32
    %barrier3A_88 = arith.constant 0 : index
    tpu.barrier barrier_id(%barrier3A_88)
    %mul3A_89 = arith.constant 624 : i32
    %mul3A_90 = arith.muli %arg1, %mul3A_89 : i32
    %mul3A_91 = arith.constant 624 : i32
    %mul3A_92 = arith.muli %arg1, %mul3A_91 : i32
    "tpu.region"() ({
      %run_scoped3A = tpu.sem_alloc : memref<!tpu.dma_semaphore, #tpu.memory_space<semaphore_mem>>
      %dma_start3A_98 = arith.constant 0 : i32
      %dma_start3A_99 = tpu.memref_slice %arg5[%arg0, %mul3A_92, %dma_start3A_98] : memref<2x10000x128xf32, #tpu.memory_space<hbm>> -> memref<1x624x128xf32, #tpu.memory_space<hbm>>
      %dma_start3A_100 = tpu.memref_squeeze %dma_start3A_99 : memref<1x624x128xf32, #tpu.memory_space<hbm>> -> memref<624x128xf32, #tpu.memory_space<hbm>>
      %dma_start3A_101 = arith.constant 0 : i32
      %dma_start3A_102 = tpu.memref_slice %arg6[%mul3A_90, %dma_start3A_101] : memref<10000x128xf32, #tpu.memory_space<vmem_shared>> -> memref<624x128xf32, #tpu.memory_space<vmem_shared>>
      tpu.enqueue_dma source(%dma_start3A_102 : memref<624x128xf32, #tpu.memory_space<vmem_shared>>) target(%dma_start3A_100 : memref<624x128xf32, #tpu.memory_space<hbm>>) target_semaphore(%run_scoped3A : memref<!tpu.dma_semaphore, #tpu.memory_space<semaphore_mem>>)
      %dma_wait3A = arith.constant 0 : i32
      %dma_wait3A_103 = tpu.memref_slice %arg5[%arg0, %mul3A_92, %dma_wait3A] : memref<2x10000x128xf32, #tpu.memory_space<hbm>> -> memref<1x624x128xf32, #tpu.memory_space<hbm>>
      %dma_wait3A_104 = tpu.memref_squeeze %dma_wait3A_103 : memref<1x624x128xf32, #tpu.memory_space<hbm>> -> memref<624x128xf32, #tpu.memory_space<hbm>>
      %dma_wait3A_105 = arith.constant 0 : i32
      %dma_wait3A_106 = tpu.memref_slice %arg6[%mul3A_90, %dma_wait3A_105] : memref<10000x128xf32, #tpu.memory_space<vmem_shared>> -> memref<624x128xf32, #tpu.memory_space<vmem_shared>>
      tpu.wait_dma2 semaphore(%run_scoped3A : memref<!tpu.dma_semaphore, #tpu.memory_space<semaphore_mem>>) src(%dma_wait3A_106 : memref<624x128xf32, #tpu.memory_space<vmem_shared>>) dst(%dma_wait3A_104 : memref<624x128xf32, #tpu.memory_space<hbm>>)
      tpu.yield
    }) : () -> ()
    %eq3A_93 = arith.constant 0 : i32
    %eq3A_94 = arith.cmpi eq, %arg1, %eq3A_93 : i32
    %convert_element_type3A_95 = arith.extui %eq3A_94 : i1 to i32
    %cond3A_96 = arith.constant 0 : i32
    %cond3A_97 = arith.cmpi ne, %convert_element_type3A_95, %cond3A_96 : i32
    scf.if %cond3A_97 {
      "tpu.region"() ({
        %run_scoped3A = tpu.sem_alloc : memref<!tpu.dma_semaphore, #tpu.memory_space<semaphore_mem>>
        %dma_start3A_98 = arith.constant 9984 : i32
        %dma_start3A_99 = arith.constant 0 : i32
        %dma_start3A_100 = tpu.memref_slice %arg5[%arg0, %dma_start3A_98, %dma_start3A_99] : memref<2x10000x128xf32, #tpu.memory_space<hbm>> -> memref<1x16x128xf32, #tpu.memory_space<hbm>>
        %dma_start3A_101 = tpu.memref_squeeze %dma_start3A_100 : memref<1x16x128xf32, #tpu.memory_space<hbm>> -> memref<16x128xf32, #tpu.memory_space<hbm>>
        %dma_start3A_102 = arith.constant 9984 : i32
        %dma_start3A_103 = arith.constant 0 : i32
        %dma_start3A_104 = tpu.memref_slice %arg6[%dma_start3A_102, %dma_start3A_103] : memref<10000x128xf32, #tpu.memory_space<vmem_shared>> -> memref<16x128xf32, #tpu.memory_space<vmem_shared>>
        tpu.enqueue_dma source(%dma_start3A_104 : memref<16x128xf32, #tpu.memory_space<vmem_shared>>) target(%dma_start3A_101 : memref<16x128xf32, #tpu.memory_space<hbm>>) target_semaphore(%run_scoped3A : memref<!tpu.dma_semaphore, #tpu.memory_space<semaphore_mem>>)
        %dma_wait3A = arith.constant 9984 : i32
        %dma_wait3A_105 = arith.constant 0 : i32
        %dma_wait3A_106 = tpu.memref_slice %arg5[%arg0, %dma_wait3A, %dma_wait3A_105] : memref<2x10000x128xf32, #tpu.memory_space<hbm>> -> memref<1x16x128xf32, #tpu.memory_space<hbm>>
        %dma_wait3A_107 = tpu.memref_squeeze %dma_wait3A_106 : memref<1x16x128xf32, #tpu.memory_space<hbm>> -> memref<16x128xf32, #tpu.memory_space<hbm>>
        %dma_wait3A_108 = arith.constant 9984 : i32
        %dma_wait3A_109 = arith.constant 0 : i32
        %dma_wait3A_110 = tpu.memref_slice %arg6[%dma_wait3A_108, %dma_wait3A_109] : memref<10000x128xf32, #tpu.memory_space<vmem_shared>> -> memref<16x128xf32, #tpu.memory_space<vmem_shared>>
        tpu.wait_dma2 semaphore(%run_scoped3A : memref<!tpu.dma_semaphore, #tpu.memory_space<semaphore_mem>>) src(%dma_wait3A_110 : memref<16x128xf32, #tpu.memory_space<vmem_shared>>) dst(%dma_wait3A_107 : memref<16x128xf32, #tpu.memory_space<hbm>>)
        tpu.yield
      }) : () -> ()
    } else {
    }
    return
  }
}

#map = affine_map<(d0, d1) -> (0, 0, 0)>
#map1 = affine_map<(d0, d1) -> (0)>
module attributes {stable_mosaic.version = 14 : i64} {
  func.func @hist_k(%arg0: i32, %arg1: i32, %arg2: memref<32x80x128xi32, #tpu.memory_space<hbm>>, %arg3: memref<20000xf32, #tpu.memory_space<hbm>>, %arg4: memref<10000xf32, #tpu.memory_space<vmem_shared>>, %arg5: memref<80x128xi32, #tpu.memory_space<vmem>>, %arg6: memref<128xf32, #tpu.memory_space<vmem>>, %arg7: memref<624xf32, #tpu.memory_space<vmem>>, %arg8: memref<!tpu.dma_semaphore, #tpu.memory_space<semaphore_mem>>) attributes {dimension_semantics = [#tpu.dimension_semantics<core_parallel>, #tpu.dimension_semantics<subcore_parallel>], iteration_bounds = array<i64: 2, 16>, scalar_prefetch = 0 : i64, scratch_operands = 5 : i64, tpu.core_type = #tpu.core_type<sc_vector_subcore>, window_params = [{transform_indices = #map}, {transform_indices = #map1}]} {
    %mul3A = arith.constant 2 : i32
    %mul3A_0 = arith.muli %arg1, %mul3A : i32
    %add3A = arith.addi %mul3A_0, %arg0 : i32
    %scan3A = arith.constant 0 : i32
    %scan3A_1 = arith.constant 0 : i32
    %scan3A_2 = arith.constant 8 : i32
    %scan3A_3 = arith.addi %scan3A_1, %scan3A_2 : i32
    %scan3A_4 = arith.constant 1 : i32
    %scan3A_5 = scf.for %scan3A_38 = %scan3A_1 to %scan3A_3 step %scan3A_4 iter_args(%scan3A_39 = %scan3A) -> (i32)  : i32 {
      %broadcast_in_dim3A = arith.constant 1.000000e+00 : f32
      %broadcast_in_dim3A_40 = vector.broadcast %broadcast_in_dim3A : f32 to vector<16xf32>
      %mul3A_41 = arith.constant 16 : i32
      %mul3A_42 = arith.muli %scan3A_38, %mul3A_41 : i32
      %swap3A = arith.index_cast %mul3A_42 : i32 to index
      %swap3A_43 = tpu.vector_load %arg6[%swap3A] {strides = array<i32>} : memref<128xf32, #tpu.memory_space<vmem>>, vector<16xf32>,
      %swap3A_44 = vector.shape_cast %swap3A_43 : vector<16xf32> to vector<16xf32>
      %swap3A_45 = vector.shape_cast %broadcast_in_dim3A_40 : vector<16xf32> to vector<16xf32>
      tpu.vector_store %arg6[%swap3A], %swap3A_45 {strides = array<i32>} : memref<128xf32, #tpu.memory_space<vmem>>, vector<16xf32>,
      %scan3A_46 = arith.constant 0 : i32
      scf.yield %scan3A_46 : i32
    }
    %scan3A_6 = arith.constant 8 : i32
    %scan3A_7 = arith.constant 0 : i32
    %scan3A_8 = arith.constant 0 : i32
    %scan3A_9 = arith.constant 39 : i32
    %scan3A_10 = arith.addi %scan3A_8, %scan3A_9 : i32
    %scan3A_11 = arith.constant 1 : i32
    %scan3A_12 = scf.for %scan3A_38 = %scan3A_8 to %scan3A_10 step %scan3A_11 iter_args(%scan3A_39 = %scan3A_7) -> (i32)  : i32 {
      %broadcast_in_dim3A = arith.constant 0.000000e+00 : f32
      %broadcast_in_dim3A_40 = vector.broadcast %broadcast_in_dim3A : f32 to vector<16xf32>
      %mul3A_41 = arith.constant 16 : i32
      %mul3A_42 = arith.muli %scan3A_38, %mul3A_41 : i32
      %swap3A = arith.index_cast %mul3A_42 : i32 to index
      %swap3A_43 = tpu.vector_load %arg7[%swap3A] {strides = array<i32>} : memref<624xf32, #tpu.memory_space<vmem>>, vector<16xf32>,
      %swap3A_44 = vector.shape_cast %swap3A_43 : vector<16xf32> to vector<16xf32>
      %swap3A_45 = vector.shape_cast %broadcast_in_dim3A_40 : vector<16xf32> to vector<16xf32>
      tpu.vector_store %arg7[%swap3A], %swap3A_45 {strides = array<i32>} : memref<624xf32, #tpu.memory_space<vmem>>, vector<16xf32>,
      %scan3A_46 = arith.constant 0 : i32
      scf.yield %scan3A_46 : i32
    }
    %scan3A_13 = arith.constant 39 : i32
    %mul3A_14 = arith.constant 624 : i32
    %mul3A_15 = arith.muli %arg1, %mul3A_14 : i32
    "tpu.region"() ({
      %run_scoped3A = tpu.sem_alloc : memref<!tpu.dma_semaphore, #tpu.memory_space<semaphore_mem>>
      %dma_start3A = tpu.memref_slice %arg4[%mul3A_15] : memref<10000xf32, #tpu.memory_space<vmem_shared>> -> memref<624xf32, #tpu.memory_space<vmem_shared>>
      %dma_start3A_38 = tpu.memref_slice %arg4[%mul3A_15] : memref<10000xf32, #tpu.memory_space<vmem_shared>> -> memref<624xf32, #tpu.memory_space<vmem_shared>>
      tpu.enqueue_dma source(%arg7 : memref<624xf32, #tpu.memory_space<vmem>>) target(%dma_start3A_38 : memref<624xf32, #tpu.memory_space<vmem_shared>>) target_semaphore(%run_scoped3A : memref<!tpu.dma_semaphore, #tpu.memory_space<semaphore_mem>>)
      %dma_wait3A = tpu.memref_slice %arg4[%mul3A_15] : memref<10000xf32, #tpu.memory_space<vmem_shared>> -> memref<624xf32, #tpu.memory_space<vmem_shared>>
      %dma_wait3A_39 = tpu.memref_slice %arg4[%mul3A_15] : memref<10000xf32, #tpu.memory_space<vmem_shared>> -> memref<624xf32, #tpu.memory_space<vmem_shared>>
      tpu.wait_dma2 semaphore(%run_scoped3A : memref<!tpu.dma_semaphore, #tpu.memory_space<semaphore_mem>>) src(%arg7 : memref<624xf32, #tpu.memory_space<vmem>>) dst(%dma_wait3A_39 : memref<624xf32, #tpu.memory_space<vmem_shared>>)
      tpu.yield
    }) : () -> ()
    %eq3A = arith.constant 0 : i32
    %eq3A_16 = arith.cmpi eq, %arg1, %eq3A : i32
    %convert_element_type3A = arith.extui %eq3A_16 : i1 to i32
    %cond3A = arith.constant 0 : i32
    %cond3A_17 = arith.cmpi ne, %convert_element_type3A, %cond3A : i32
    scf.if %cond3A_17 {
      "tpu.region"() ({
        %run_scoped3A = tpu.sem_alloc : memref<!tpu.dma_semaphore, #tpu.memory_space<semaphore_mem>>
        %dma_start3A = arith.constant 0 : i32
        %dma_start3A_38 = tpu.memref_slice %arg7[%dma_start3A] : memref<624xf32, #tpu.memory_space<vmem>> -> memref<16xf32, #tpu.memory_space<vmem>>
        %dma_start3A_39 = arith.constant 9984 : i32
        %dma_start3A_40 = tpu.memref_slice %arg4[%dma_start3A_39] : memref<10000xf32, #tpu.memory_space<vmem_shared>> -> memref<16xf32, #tpu.memory_space<vmem_shared>>
        %dma_start3A_41 = arith.constant 9984 : i32
        %dma_start3A_42 = tpu.memref_slice %arg4[%dma_start3A_41] : memref<10000xf32, #tpu.memory_space<vmem_shared>> -> memref<16xf32, #tpu.memory_space<vmem_shared>>
        %dma_start3A_43 = arith.constant 0 : i32
        %dma_start3A_44 = tpu.memref_slice %arg7[%dma_start3A_43] : memref<624xf32, #tpu.memory_space<vmem>> -> memref<16xf32, #tpu.memory_space<vmem>>
        tpu.enqueue_dma source(%dma_start3A_44 : memref<16xf32, #tpu.memory_space<vmem>>) target(%dma_start3A_42 : memref<16xf32, #tpu.memory_space<vmem_shared>>) target_semaphore(%run_scoped3A : memref<!tpu.dma_semaphore, #tpu.memory_space<semaphore_mem>>)
        %dma_wait3A = arith.constant 0 : i32
        %dma_wait3A_45 = tpu.memref_slice %arg7[%dma_wait3A] : memref<624xf32, #tpu.memory_space<vmem>> -> memref<16xf32, #tpu.memory_space<vmem>>
        %dma_wait3A_46 = arith.constant 9984 : i32
        %dma_wait3A_47 = tpu.memref_slice %arg4[%dma_wait3A_46] : memref<10000xf32, #tpu.memory_space<vmem_shared>> -> memref<16xf32, #tpu.memory_space<vmem_shared>>
        %dma_wait3A_48 = arith.constant 9984 : i32
        %dma_wait3A_49 = tpu.memref_slice %arg4[%dma_wait3A_48] : memref<10000xf32, #tpu.memory_space<vmem_shared>> -> memref<16xf32, #tpu.memory_space<vmem_shared>>
        %dma_wait3A_50 = arith.constant 0 : i32
        %dma_wait3A_51 = tpu.memref_slice %arg7[%dma_wait3A_50] : memref<624xf32, #tpu.memory_space<vmem>> -> memref<16xf32, #tpu.memory_space<vmem>>
        tpu.wait_dma2 semaphore(%run_scoped3A : memref<!tpu.dma_semaphore, #tpu.memory_space<semaphore_mem>>) src(%dma_wait3A_51 : memref<16xf32, #tpu.memory_space<vmem>>) dst(%dma_wait3A_49 : memref<16xf32, #tpu.memory_space<vmem_shared>>)
        tpu.yield
      }) : () -> ()
    } else {
    }
    "tpu.region"() ({
      %run_scoped3A = tpu.sem_alloc : memref<!tpu.dma_semaphore, #tpu.memory_space<semaphore_mem>>
      %dma_start3A = arith.constant 0 : i32
      %dma_start3A_38 = arith.constant 0 : i32
      %dma_start3A_39 = tpu.memref_slice %arg2[%add3A, %dma_start3A, %dma_start3A_38] : memref<32x80x128xi32, #tpu.memory_space<hbm>> -> memref<1x80x128xi32, #tpu.memory_space<hbm>>
      %dma_start3A_40 = tpu.memref_squeeze %dma_start3A_39 : memref<1x80x128xi32, #tpu.memory_space<hbm>> -> memref<80x128xi32, #tpu.memory_space<hbm>>
      %dma_start3A_41 = arith.constant 0 : i32
      %dma_start3A_42 = arith.constant 0 : i32
      %dma_start3A_43 = tpu.memref_slice %arg2[%add3A, %dma_start3A_41, %dma_start3A_42] : memref<32x80x128xi32, #tpu.memory_space<hbm>> -> memref<1x80x128xi32, #tpu.memory_space<hbm>>
      %dma_start3A_44 = tpu.memref_squeeze %dma_start3A_43 : memref<1x80x128xi32, #tpu.memory_space<hbm>> -> memref<80x128xi32, #tpu.memory_space<hbm>>
      tpu.enqueue_dma source(%dma_start3A_44 : memref<80x128xi32, #tpu.memory_space<hbm>>) target(%arg5 : memref<80x128xi32, #tpu.memory_space<vmem>>) target_semaphore(%run_scoped3A : memref<!tpu.dma_semaphore, #tpu.memory_space<semaphore_mem>>)
      %dma_wait3A = arith.constant 0 : i32
      %dma_wait3A_45 = arith.constant 0 : i32
      %dma_wait3A_46 = tpu.memref_slice %arg2[%add3A, %dma_wait3A, %dma_wait3A_45] : memref<32x80x128xi32, #tpu.memory_space<hbm>> -> memref<1x80x128xi32, #tpu.memory_space<hbm>>
      %dma_wait3A_47 = tpu.memref_squeeze %dma_wait3A_46 : memref<1x80x128xi32, #tpu.memory_space<hbm>> -> memref<80x128xi32, #tpu.memory_space<hbm>>
      %dma_wait3A_48 = arith.constant 0 : i32
      %dma_wait3A_49 = arith.constant 0 : i32
      %dma_wait3A_50 = tpu.memref_slice %arg2[%add3A, %dma_wait3A_48, %dma_wait3A_49] : memref<32x80x128xi32, #tpu.memory_space<hbm>> -> memref<1x80x128xi32, #tpu.memory_space<hbm>>
      %dma_wait3A_51 = tpu.memref_squeeze %dma_wait3A_50 : memref<1x80x128xi32, #tpu.memory_space<hbm>> -> memref<80x128xi32, #tpu.memory_space<hbm>>
      tpu.wait_dma2 semaphore(%run_scoped3A : memref<!tpu.dma_semaphore, #tpu.memory_space<semaphore_mem>>) src(%dma_wait3A_51 : memref<80x128xi32, #tpu.memory_space<hbm>>) dst(%arg5 : memref<80x128xi32, #tpu.memory_space<vmem>>)
      tpu.yield
    }) : () -> ()
    %barrier3A = arith.constant 0 : index
    tpu.barrier barrier_id(%barrier3A)
    %scan3A_18 = arith.constant 0 : i32
    %scan3A_19 = arith.constant 0 : i32
    %scan3A_20 = arith.constant 20 : i32
    %scan3A_21 = arith.addi %scan3A_19, %scan3A_20 : i32
    %scan3A_22 = arith.constant 1 : i32
    %scan3A_23 = scf.for %scan3A_38 = %scan3A_19 to %scan3A_21 step %scan3A_22 iter_args(%scan3A_39 = %scan3A_18) -> (i32)  : i32 {
      %mul3A_40 = arith.constant 4 : i32
      %mul3A_41 = arith.muli %scan3A_38, %mul3A_40 : i32
      %add3A_42 = arith.constant 0 : i32
      %add3A_43 = arith.addi %mul3A_41, %add3A_42 : i32
      %dma_start3A = arith.constant 0 : i32
      %dma_start3A_44 = tpu.memref_slice %arg5[%add3A_43, %dma_start3A] : memref<80x128xi32, #tpu.memory_space<vmem>> -> memref<1x128xi32, #tpu.memory_space<vmem>>
      %dma_start3A_45 = tpu.memref_squeeze %dma_start3A_44 : memref<1x128xi32, #tpu.memory_space<vmem>> -> memref<128xi32, #tpu.memory_space<vmem>>
      %dma_start3A_46 = arith.constant 0 : i32
      %dma_start3A_47 = tpu.memref_slice %arg4[%dma_start3A_46] : memref<10000xf32, #tpu.memory_space<vmem_shared>> -> memref<10000xf32, #tpu.memory_space<vmem_shared>>
      tpu.enqueue_indirect_dma source(%arg6 : memref<128xf32, #tpu.memory_space<vmem>>) target(%dma_start3A_47 : memref<10000xf32, #tpu.memory_space<vmem_shared>>) offsets(%dma_start3A_45 : memref<128xi32, #tpu.memory_space<vmem>>) semaphore(%arg8 : memref<!tpu.dma_semaphore, #tpu.memory_space<semaphore_mem>>) {add = true}
      %mul3A_48 = arith.constant 4 : i32
      %mul3A_49 = arith.muli %scan3A_38, %mul3A_48 : i32
      %add3A_50 = arith.constant 1 : i32
      %add3A_51 = arith.addi %mul3A_49, %add3A_50 : i32
      %dma_start3A_52 = arith.constant 0 : i32
      %dma_start3A_53 = tpu.memref_slice %arg5[%add3A_51, %dma_start3A_52] : memref<80x128xi32, #tpu.memory_space<vmem>> -> memref<1x128xi32, #tpu.memory_space<vmem>>
      %dma_start3A_54 = tpu.memref_squeeze %dma_start3A_53 : memref<1x128xi32, #tpu.memory_space<vmem>> -> memref<128xi32, #tpu.memory_space<vmem>>
      %dma_start3A_55 = arith.constant 0 : i32
      %dma_start3A_56 = tpu.memref_slice %arg4[%dma_start3A_55] : memref<10000xf32, #tpu.memory_space<vmem_shared>> -> memref<10000xf32, #tpu.memory_space<vmem_shared>>
      tpu.enqueue_indirect_dma source(%arg6 : memref<128xf32, #tpu.memory_space<vmem>>) target(%dma_start3A_56 : memref<10000xf32, #tpu.memory_space<vmem_shared>>) offsets(%dma_start3A_54 : memref<128xi32, #tpu.memory_space<vmem>>) semaphore(%arg8 : memref<!tpu.dma_semaphore, #tpu.memory_space<semaphore_mem>>) {add = true}
      %mul3A_57 = arith.constant 4 : i32
      %mul3A_58 = arith.muli %scan3A_38, %mul3A_57 : i32
      %add3A_59 = arith.constant 2 : i32
      %add3A_60 = arith.addi %mul3A_58, %add3A_59 : i32
      %dma_start3A_61 = arith.constant 0 : i32
      %dma_start3A_62 = tpu.memref_slice %arg5[%add3A_60, %dma_start3A_61] : memref<80x128xi32, #tpu.memory_space<vmem>> -> memref<1x128xi32, #tpu.memory_space<vmem>>
      %dma_start3A_63 = tpu.memref_squeeze %dma_start3A_62 : memref<1x128xi32, #tpu.memory_space<vmem>> -> memref<128xi32, #tpu.memory_space<vmem>>
      %dma_start3A_64 = arith.constant 0 : i32
      %dma_start3A_65 = tpu.memref_slice %arg4[%dma_start3A_64] : memref<10000xf32, #tpu.memory_space<vmem_shared>> -> memref<10000xf32, #tpu.memory_space<vmem_shared>>
      tpu.enqueue_indirect_dma source(%arg6 : memref<128xf32, #tpu.memory_space<vmem>>) target(%dma_start3A_65 : memref<10000xf32, #tpu.memory_space<vmem_shared>>) offsets(%dma_start3A_63 : memref<128xi32, #tpu.memory_space<vmem>>) semaphore(%arg8 : memref<!tpu.dma_semaphore, #tpu.memory_space<semaphore_mem>>) {add = true}
      %mul3A_66 = arith.constant 4 : i32
      %mul3A_67 = arith.muli %scan3A_38, %mul3A_66 : i32
      %add3A_68 = arith.constant 3 : i32
      %add3A_69 = arith.addi %mul3A_67, %add3A_68 : i32
      %dma_start3A_70 = arith.constant 0 : i32
      %dma_start3A_71 = tpu.memref_slice %arg5[%add3A_69, %dma_start3A_70] : memref<80x128xi32, #tpu.memory_space<vmem>> -> memref<1x128xi32, #tpu.memory_space<vmem>>
      %dma_start3A_72 = tpu.memref_squeeze %dma_start3A_71 : memref<1x128xi32, #tpu.memory_space<vmem>> -> memref<128xi32, #tpu.memory_space<vmem>>
      %dma_start3A_73 = arith.constant 0 : i32
      %dma_start3A_74 = tpu.memref_slice %arg4[%dma_start3A_73] : memref<10000xf32, #tpu.memory_space<vmem_shared>> -> memref<10000xf32, #tpu.memory_space<vmem_shared>>
      tpu.enqueue_indirect_dma source(%arg6 : memref<128xf32, #tpu.memory_space<vmem>>) target(%dma_start3A_74 : memref<10000xf32, #tpu.memory_space<vmem_shared>>) offsets(%dma_start3A_72 : memref<128xi32, #tpu.memory_space<vmem>>) semaphore(%arg8 : memref<!tpu.dma_semaphore, #tpu.memory_space<semaphore_mem>>) {add = true}
      %mul3A_75 = arith.constant 4 : i32
      %mul3A_76 = arith.muli %scan3A_38, %mul3A_75 : i32
      %dma_wait3A = arith.constant 0 : i32
      %dma_wait3A_77 = tpu.memref_slice %arg5[%mul3A_76, %dma_wait3A] : memref<80x128xi32, #tpu.memory_space<vmem>> -> memref<1x128xi32, #tpu.memory_space<vmem>>
      %dma_wait3A_78 = tpu.memref_squeeze %dma_wait3A_77 : memref<1x128xi32, #tpu.memory_space<vmem>> -> memref<128xi32, #tpu.memory_space<vmem>>
      %dma_wait3A_79 = arith.constant 0 : i32
      %dma_wait3A_80 = tpu.memref_slice %arg4[%dma_wait3A_79] : memref<10000xf32, #tpu.memory_space<vmem_shared>> -> memref<10000xf32, #tpu.memory_space<vmem_shared>>
      tpu.wait_indirect_dma semaphore(%arg8 : memref<!tpu.dma_semaphore, #tpu.memory_space<semaphore_mem>>) src(%arg6 : memref<128xf32, #tpu.memory_space<vmem>>) dst(%dma_wait3A_80 : memref<10000xf32, #tpu.memory_space<vmem_shared>>)
      %mul3A_81 = arith.constant 4 : i32
      %mul3A_82 = arith.muli %scan3A_38, %mul3A_81 : i32
      %dma_wait3A_83 = arith.constant 0 : i32
      %dma_wait3A_84 = tpu.memref_slice %arg5[%mul3A_82, %dma_wait3A_83] : memref<80x128xi32, #tpu.memory_space<vmem>> -> memref<1x128xi32, #tpu.memory_space<vmem>>
      %dma_wait3A_85 = tpu.memref_squeeze %dma_wait3A_84 : memref<1x128xi32, #tpu.memory_space<vmem>> -> memref<128xi32, #tpu.memory_space<vmem>>
      %dma_wait3A_86 = arith.constant 0 : i32
      %dma_wait3A_87 = tpu.memref_slice %arg4[%dma_wait3A_86] : memref<10000xf32, #tpu.memory_space<vmem_shared>> -> memref<10000xf32, #tpu.memory_space<vmem_shared>>
      tpu.wait_indirect_dma semaphore(%arg8 : memref<!tpu.dma_semaphore, #tpu.memory_space<semaphore_mem>>) src(%arg6 : memref<128xf32, #tpu.memory_space<vmem>>) dst(%dma_wait3A_87 : memref<10000xf32, #tpu.memory_space<vmem_shared>>)
      %mul3A_88 = arith.constant 4 : i32
      %mul3A_89 = arith.muli %scan3A_38, %mul3A_88 : i32
      %dma_wait3A_90 = arith.constant 0 : i32
      %dma_wait3A_91 = tpu.memref_slice %arg5[%mul3A_89, %dma_wait3A_90] : memref<80x128xi32, #tpu.memory_space<vmem>> -> memref<1x128xi32, #tpu.memory_space<vmem>>
      %dma_wait3A_92 = tpu.memref_squeeze %dma_wait3A_91 : memref<1x128xi32, #tpu.memory_space<vmem>> -> memref<128xi32, #tpu.memory_space<vmem>>
      %dma_wait3A_93 = arith.constant 0 : i32
      %dma_wait3A_94 = tpu.memref_slice %arg4[%dma_wait3A_93] : memref<10000xf32, #tpu.memory_space<vmem_shared>> -> memref<10000xf32, #tpu.memory_space<vmem_shared>>
      tpu.wait_indirect_dma semaphore(%arg8 : memref<!tpu.dma_semaphore, #tpu.memory_space<semaphore_mem>>) src(%arg6 : memref<128xf32, #tpu.memory_space<vmem>>) dst(%dma_wait3A_94 : memref<10000xf32, #tpu.memory_space<vmem_shared>>)
      %mul3A_95 = arith.constant 4 : i32
      %mul3A_96 = arith.muli %scan3A_38, %mul3A_95 : i32
      %dma_wait3A_97 = arith.constant 0 : i32
      %dma_wait3A_98 = tpu.memref_slice %arg5[%mul3A_96, %dma_wait3A_97] : memref<80x128xi32, #tpu.memory_space<vmem>> -> memref<1x128xi32, #tpu.memory_space<vmem>>
      %dma_wait3A_99 = tpu.memref_squeeze %dma_wait3A_98 : memref<1x128xi32, #tpu.memory_space<vmem>> -> memref<128xi32, #tpu.memory_space<vmem>>
      %dma_wait3A_100 = arith.constant 0 : i32
      %dma_wait3A_101 = tpu.memref_slice %arg4[%dma_wait3A_100] : memref<10000xf32, #tpu.memory_space<vmem_shared>> -> memref<10000xf32, #tpu.memory_space<vmem_shared>>
      tpu.wait_indirect_dma semaphore(%arg8 : memref<!tpu.dma_semaphore, #tpu.memory_space<semaphore_mem>>) src(%arg6 : memref<128xf32, #tpu.memory_space<vmem>>) dst(%dma_wait3A_101 : memref<10000xf32, #tpu.memory_space<vmem_shared>>)
      %scan3A_102 = arith.constant 0 : i32
      scf.yield %scan3A_102 : i32
    }
    %scan3A_24 = arith.constant 20 : i32
    %barrier3A_25 = arith.constant 0 : index
    tpu.barrier barrier_id(%barrier3A_25)
    %mul3A_26 = arith.constant 624 : i32
    %mul3A_27 = arith.muli %arg1, %mul3A_26 : i32
    "tpu.region"() ({
      %run_scoped3A = tpu.sem_alloc : memref<!tpu.dma_semaphore, #tpu.memory_space<semaphore_mem>>
      %dma_start3A = tpu.memref_slice %arg4[%mul3A_27] : memref<10000xf32, #tpu.memory_space<vmem_shared>> -> memref<624xf32, #tpu.memory_space<vmem_shared>>
      %dma_start3A_38 = tpu.memref_slice %arg4[%mul3A_27] : memref<10000xf32, #tpu.memory_space<vmem_shared>> -> memref<624xf32, #tpu.memory_space<vmem_shared>>
      tpu.enqueue_dma source(%dma_start3A_38 : memref<624xf32, #tpu.memory_space<vmem_shared>>) target(%arg7 : memref<624xf32, #tpu.memory_space<vmem>>) target_semaphore(%run_scoped3A : memref<!tpu.dma_semaphore, #tpu.memory_space<semaphore_mem>>)
      %dma_wait3A = tpu.memref_slice %arg4[%mul3A_27] : memref<10000xf32, #tpu.memory_space<vmem_shared>> -> memref<624xf32, #tpu.memory_space<vmem_shared>>
      %dma_wait3A_39 = tpu.memref_slice %arg4[%mul3A_27] : memref<10000xf32, #tpu.memory_space<vmem_shared>> -> memref<624xf32, #tpu.memory_space<vmem_shared>>
      tpu.wait_dma2 semaphore(%run_scoped3A : memref<!tpu.dma_semaphore, #tpu.memory_space<semaphore_mem>>) src(%dma_wait3A_39 : memref<624xf32, #tpu.memory_space<vmem_shared>>) dst(%arg7 : memref<624xf32, #tpu.memory_space<vmem>>)
      tpu.yield
    }) : () -> ()
    %mul3A_28 = arith.constant 10000 : i32
    %mul3A_29 = arith.muli %arg0, %mul3A_28 : i32
    %mul3A_30 = arith.constant 624 : i32
    %mul3A_31 = arith.muli %arg1, %mul3A_30 : i32
    %add3A_32 = arith.addi %mul3A_29, %mul3A_31 : i32
    "tpu.region"() ({
      %run_scoped3A = tpu.sem_alloc : memref<!tpu.dma_semaphore, #tpu.memory_space<semaphore_mem>>
      %dma_start3A = tpu.memref_slice %arg3[%add3A_32] : memref<20000xf32, #tpu.memory_space<hbm>> -> memref<624xf32, #tpu.memory_space<hbm>>
      %dma_start3A_38 = tpu.memref_slice %arg3[%add3A_32] : memref<20000xf32, #tpu.memory_space<hbm>> -> memref<624xf32, #tpu.memory_space<hbm>>
      tpu.enqueue_dma source(%arg7 : memref<624xf32, #tpu.memory_space<vmem>>) target(%dma_start3A_38 : memref<624xf32, #tpu.memory_space<hbm>>) target_semaphore(%run_scoped3A : memref<!tpu.dma_semaphore, #tpu.memory_space<semaphore_mem>>)
      %dma_wait3A = tpu.memref_slice %arg3[%add3A_32] : memref<20000xf32, #tpu.memory_space<hbm>> -> memref<624xf32, #tpu.memory_space<hbm>>
      %dma_wait3A_39 = tpu.memref_slice %arg3[%add3A_32] : memref<20000xf32, #tpu.memory_space<hbm>> -> memref<624xf32, #tpu.memory_space<hbm>>
      tpu.wait_dma2 semaphore(%run_scoped3A : memref<!tpu.dma_semaphore, #tpu.memory_space<semaphore_mem>>) src(%arg7 : memref<624xf32, #tpu.memory_space<vmem>>) dst(%dma_wait3A_39 : memref<624xf32, #tpu.memory_space<hbm>>)
      tpu.yield
    }) : () -> ()
    %eq3A_33 = arith.constant 0 : i32
    %eq3A_34 = arith.cmpi eq, %arg1, %eq3A_33 : i32
    %convert_element_type3A_35 = arith.extui %eq3A_34 : i1 to i32
    %cond3A_36 = arith.constant 0 : i32
    %cond3A_37 = arith.cmpi ne, %convert_element_type3A_35, %cond3A_36 : i32
    scf.if %cond3A_37 {
      "tpu.region"() ({
        %run_scoped3A = tpu.sem_alloc : memref<!tpu.dma_semaphore, #tpu.memory_space<semaphore_mem>>
        %dma_start3A = arith.constant 0 : i32
        %dma_start3A_42 = tpu.memref_slice %arg7[%dma_start3A] : memref<624xf32, #tpu.memory_space<vmem>> -> memref<16xf32, #tpu.memory_space<vmem>>
        %dma_start3A_43 = arith.constant 9984 : i32
        %dma_start3A_44 = tpu.memref_slice %arg4[%dma_start3A_43] : memref<10000xf32, #tpu.memory_space<vmem_shared>> -> memref<16xf32, #tpu.memory_space<vmem_shared>>
        %dma_start3A_45 = arith.constant 0 : i32
        %dma_start3A_46 = tpu.memref_slice %arg7[%dma_start3A_45] : memref<624xf32, #tpu.memory_space<vmem>> -> memref<16xf32, #tpu.memory_space<vmem>>
        %dma_start3A_47 = arith.constant 9984 : i32
        %dma_start3A_48 = tpu.memref_slice %arg4[%dma_start3A_47] : memref<10000xf32, #tpu.memory_space<vmem_shared>> -> memref<16xf32, #tpu.memory_space<vmem_shared>>
        tpu.enqueue_dma source(%dma_start3A_48 : memref<16xf32, #tpu.memory_space<vmem_shared>>) target(%dma_start3A_46 : memref<16xf32, #tpu.memory_space<vmem>>) target_semaphore(%run_scoped3A : memref<!tpu.dma_semaphore, #tpu.memory_space<semaphore_mem>>)
        %dma_wait3A = arith.constant 0 : i32
        %dma_wait3A_49 = tpu.memref_slice %arg7[%dma_wait3A] : memref<624xf32, #tpu.memory_space<vmem>> -> memref<16xf32, #tpu.memory_space<vmem>>
        %dma_wait3A_50 = arith.constant 9984 : i32
        %dma_wait3A_51 = tpu.memref_slice %arg4[%dma_wait3A_50] : memref<10000xf32, #tpu.memory_space<vmem_shared>> -> memref<16xf32, #tpu.memory_space<vmem_shared>>
        %dma_wait3A_52 = arith.constant 0 : i32
        %dma_wait3A_53 = tpu.memref_slice %arg7[%dma_wait3A_52] : memref<624xf32, #tpu.memory_space<vmem>> -> memref<16xf32, #tpu.memory_space<vmem>>
        %dma_wait3A_54 = arith.constant 9984 : i32
        %dma_wait3A_55 = tpu.memref_slice %arg4[%dma_wait3A_54] : memref<10000xf32, #tpu.memory_space<vmem_shared>> -> memref<16xf32, #tpu.memory_space<vmem_shared>>
        tpu.wait_dma2 semaphore(%run_scoped3A : memref<!tpu.dma_semaphore, #tpu.memory_space<semaphore_mem>>) src(%dma_wait3A_55 : memref<16xf32, #tpu.memory_space<vmem_shared>>) dst(%dma_wait3A_53 : memref<16xf32, #tpu.memory_space<vmem>>)
        tpu.yield
      }) : () -> ()
      %mul3A_38 = arith.constant 10000 : i32
      %mul3A_39 = arith.muli %arg0, %mul3A_38 : i32
      %add3A_40 = arith.constant 9984 : i32
      %add3A_41 = arith.addi %mul3A_39, %add3A_40 : i32
      "tpu.region"() ({
        %run_scoped3A = tpu.sem_alloc : memref<!tpu.dma_semaphore, #tpu.memory_space<semaphore_mem>>
        %dma_start3A = arith.constant 0 : i32
        %dma_start3A_42 = tpu.memref_slice %arg7[%dma_start3A] : memref<624xf32, #tpu.memory_space<vmem>> -> memref<16xf32, #tpu.memory_space<vmem>>
        %dma_start3A_43 = tpu.memref_slice %arg3[%add3A_41] : memref<20000xf32, #tpu.memory_space<hbm>> -> memref<16xf32, #tpu.memory_space<hbm>>
        %dma_start3A_44 = tpu.memref_slice %arg3[%add3A_41] : memref<20000xf32, #tpu.memory_space<hbm>> -> memref<16xf32, #tpu.memory_space<hbm>>
        %dma_start3A_45 = arith.constant 0 : i32
        %dma_start3A_46 = tpu.memref_slice %arg7[%dma_start3A_45] : memref<624xf32, #tpu.memory_space<vmem>> -> memref<16xf32, #tpu.memory_space<vmem>>
        tpu.enqueue_dma source(%dma_start3A_46 : memref<16xf32, #tpu.memory_space<vmem>>) target(%dma_start3A_44 : memref<16xf32, #tpu.memory_space<hbm>>) target_semaphore(%run_scoped3A : memref<!tpu.dma_semaphore, #tpu.memory_space<semaphore_mem>>)
        %dma_wait3A = arith.constant 0 : i32
        %dma_wait3A_47 = tpu.memref_slice %arg7[%dma_wait3A] : memref<624xf32, #tpu.memory_space<vmem>> -> memref<16xf32, #tpu.memory_space<vmem>>
        %dma_wait3A_48 = tpu.memref_slice %arg3[%add3A_41] : memref<20000xf32, #tpu.memory_space<hbm>> -> memref<16xf32, #tpu.memory_space<hbm>>
        %dma_wait3A_49 = tpu.memref_slice %arg3[%add3A_41] : memref<20000xf32, #tpu.memory_space<hbm>> -> memref<16xf32, #tpu.memory_space<hbm>>
        %dma_wait3A_50 = arith.constant 0 : i32
        %dma_wait3A_51 = tpu.memref_slice %arg7[%dma_wait3A_50] : memref<624xf32, #tpu.memory_space<vmem>> -> memref<16xf32, #tpu.memory_space<vmem>>
        tpu.wait_dma2 semaphore(%run_scoped3A : memref<!tpu.dma_semaphore, #tpu.memory_space<semaphore_mem>>) src(%dma_wait3A_51 : memref<16xf32, #tpu.memory_space<vmem>>) dst(%dma_wait3A_49 : memref<16xf32, #tpu.memory_space<hbm>>)
        tpu.yield
      }) : () -> ()
    } else {
    }
    return
  }
}

module attributes {stable_mosaic.version = 14 : i64} {
  func.func @prep_k(%arg0: i32, %arg1: memref<2016x128xf32, #tpu.memory_space<vmem>>, %arg2: memref<1x2016x2xf32, #tpu.memory_space<vmem>>, %arg3: memref<128x128xf32, #tpu.memory_space<vmem>>, %arg4: memref<128x128xf32, #tpu.memory_space<vmem>>, %arg5: memref<128x128xf32, #tpu.memory_space<vmem>>, %arg6: memref<1x128xf32, #tpu.memory_space<vmem>>, %arg7: memref<128x128xf32, #tpu.memory_space<vmem>>, %arg8: memref<1x128xf32, #tpu.memory_space<vmem>>, %arg9: memref<1x1xf32, #tpu.memory_space<vmem>>, %arg10: memref<1x128xf32, #tpu.memory_space<vmem>>, %arg11: memref<2016x128xf32, #tpu.memory_space<vmem>>, %arg12: memref<2016x1xf32, #tpu.memory_space<vmem>>, %arg13: memref<128x128xf32, #tpu.memory_space<vmem>>, %arg14: memref<1x128xf32, #tpu.memory_space<vmem>>, %arg15: memref<8x128xf32, #tpu.memory_space<vmem>>) attributes {dimension_semantics = [#tpu.dimension_semantics<arbitrary>], iteration_bounds = array<i64: 5>, scalar_prefetch = 0 : i64, scratch_operands = 1 : i64, tpu.core_type = #tpu.core_type<tc>, window_params = [{transform_indices = @transform_0, window_bounds = array<i64: 2016, 128>}, {transform_indices = @transform_1, window_bounds = array<i64: 1, 2016, 2>}, {pipeline_mode = #tpu.pipeline_mode<synchronous>, transform_indices = @transform_2, window_bounds = array<i64: 128, 128>}, {pipeline_mode = #tpu.pipeline_mode<synchronous>, transform_indices = @transform_3, window_bounds = array<i64: 128, 128>}, {pipeline_mode = #tpu.pipeline_mode<synchronous>, transform_indices = @transform_4, window_bounds = array<i64: 128, 128>}, {pipeline_mode = #tpu.pipeline_mode<synchronous>, transform_indices = @transform_5, window_bounds = array<i64: 1, 128>}, {pipeline_mode = #tpu.pipeline_mode<synchronous>, transform_indices = @transform_6, window_bounds = array<i64: 128, 128>}, {pipeline_mode = #tpu.pipeline_mode<synchronous>, transform_indices = @transform_7, window_bounds = array<i64: 1, 128>}, {pipeline_mode = #tpu.pipeline_mode<synchronous>, transform_indices = @transform_8, window_bounds = array<i64: 1, 1>}, {pipeline_mode = #tpu.pipeline_mode<synchronous>, transform_indices = @transform_9, window_bounds = array<i64: 1, 128>}, {transform_indices = @transform_10, window_bounds = array<i64: 2016, 128>}, {transform_indices = @transform_11, window_bounds = array<i64: 2016, 1>}, {pipeline_mode = #tpu.pipeline_mode<synchronous>, transform_indices = @transform_12, window_bounds = array<i64: 128, 128>}, {pipeline_mode = #tpu.pipeline_mode<synchronous>, transform_indices = @transform_13, window_bounds = array<i64: 1, 128>}]} {
    %mul3A = arith.constant 2016 : i32
    %mul3A_0 = arith.muli %arg0, %mul3A : i32
    %iota3A = tpu.iota {dimensions = array<i32: 0>} : vector<2016x1xi32>
    %add3A = vector.broadcast %mul3A_0 : i32 to vector<2016x1xi32>
    %add3A_1 = arith.addi %add3A, %iota3A : vector<2016x1xi32>
    %get3A = arith.constant 0 : index
    %get3A_2 = arith.constant 0 : index
    %get3A_3 = arith.constant 0 : index
    %get3A_4 = vector.load %arg2[%get3A, %get3A_2, %get3A_3] : memref<1x2016x2xf32, #tpu.memory_space<vmem>>, vector<1x2016x2xf32>
    %get3A_5 = vector.shape_cast %get3A_4 : vector<1x2016x2xf32> to vector<2016x2xf32>
    %reduce_sum3A = arith.constant dense<0.000000e+00> : vector<2016xf32>
    %reduce_sum3A_6 = vector.multi_reduction <add>, %get3A_5, %reduce_sum3A [1] : vector<2016x2xf32> to vector<2016xf32>
    %broadcast_in_dim3A = vector.shape_cast %reduce_sum3A_6 : vector<2016xf32> to vector<2016x1xf32>
    %lt3A = arith.constant 7680 : i32
    %lt3A_7 = vector.broadcast %lt3A : i32 to vector<2016x1xi32>
    %lt3A_8 = arith.cmpi slt, %add3A_1, %lt3A_7 : vector<2016x1xi32>
    %jit3A = arith.constant 1.000000e+00 : f32
    %jit3A_9 = arith.constant 0.000000e+00 : f32
    %broadcast_in_dim3A_10 = vector.broadcast %jit3A : f32 to vector<2016x1xf32>
    %broadcast_in_dim3A_11 = vector.broadcast %jit3A_9 : f32 to vector<2016x1xf32>
    %select_n3A = arith.select %lt3A_8, %broadcast_in_dim3A_10, %broadcast_in_dim3A_11 : vector<2016x1xi1>, vector<2016x1xf32>
    %sub3A = arith.subf %broadcast_in_dim3A, %select_n3A : vector<2016x1xf32>
    %gt3A = arith.constant 0.000000e+00 : f32
    %gt3A_12 = vector.broadcast %gt3A : f32 to vector<2016x1xf32>
    %gt3A_13 = arith.cmpf ogt, %sub3A, %gt3A_12 : vector<2016x1xf32>
    %max3A = arith.constant 1.000000e-30 : f32
    %max3A_14 = vector.broadcast %max3A : f32 to vector<2016x1xf32>
    %max3A_15 = arith.maximumf %sub3A, %max3A_14 : vector<2016x1xf32>
    %rsqrt3A = math.rsqrt %max3A_15 : vector<2016x1xf32>
    %jit3A_16 = arith.constant 0.000000e+00 : f32
    %broadcast_in_dim3A_17 = vector.broadcast %jit3A_16 : f32 to vector<2016x1xf32>
    %select_n3A_18 = arith.select %gt3A_13, %rsqrt3A, %broadcast_in_dim3A_17 : vector<2016x1xi1>, vector<2016x1xf32>
    %lt3A_19 = arith.constant 10000 : i32
    %lt3A_20 = vector.broadcast %lt3A_19 : i32 to vector<2016x1xi32>
    %lt3A_21 = arith.cmpi slt, %add3A_1, %lt3A_20 : vector<2016x1xi32>
    %get3A_22 = arith.constant 0 : index
    %get3A_23 = arith.constant 0 : index
    %get3A_24 = vector.load %arg1[%get3A_22, %get3A_23] : memref<2016x128xf32, #tpu.memory_space<vmem>>, vector<2016x128xf32>
    %jit3A_25 = arith.constant 0.000000e+00 : f32
    %broadcast_in_dim3A_26 = vector.shape_cast %lt3A_21 : vector<2016x1xi1> to vector<2016x1xi1>
    %broadcast_in_dim3A_27 = vector.broadcast %broadcast_in_dim3A_26 : vector<2016x1xi1> to vector<2016x128xi1>
    %broadcast_in_dim3A_28 = vector.broadcast %jit3A_25 : f32 to vector<2016x128xf32>
    %select_n3A_29 = arith.select %broadcast_in_dim3A_27, %get3A_24, %broadcast_in_dim3A_28 : vector<2016x128xi1>, vector<2016x128xf32>
    %mul3A_30 = vector.broadcast %select_n3A_18 : vector<2016x1xf32> to vector<2016x128xf32>
    %mul3A_31 = arith.mulf %select_n3A_29, %mul3A_30 : vector<2016x128xf32>
    %jit3A_32 = arith.constant 0.000000e+00 : f32
    %broadcast_in_dim3A_33 = vector.shape_cast %lt3A_21 : vector<2016x1xi1> to vector<2016x1xi1>
    %broadcast_in_dim3A_34 = vector.broadcast %broadcast_in_dim3A_33 : vector<2016x1xi1> to vector<2016x128xi1>
    %broadcast_in_dim3A_35 = vector.broadcast %jit3A_32 : f32 to vector<2016x128xf32>
    %select_n3A_36 = arith.select %broadcast_in_dim3A_34, %mul3A_31, %broadcast_in_dim3A_35 : vector<2016x128xi1>, vector<2016x128xf32>
    %swap3A = arith.constant 0 : index
    %swap3A_37 = arith.constant 0 : index
    %swap3A_38 = vector.load %arg11[%swap3A, %swap3A_37] : memref<2016x128xf32, #tpu.memory_space<vmem>>, vector<2016x128xf32>
    tpu.vector_store %arg11[%swap3A, %swap3A_37], %select_n3A_36 {strides = array<i32>} : memref<2016x128xf32, #tpu.memory_space<vmem>>, vector<2016x128xf32>,
    %swap3A_39 = arith.constant 0 : index
    %swap3A_40 = arith.constant 0 : index
    %swap3A_41 = vector.load %arg12[%swap3A_39, %swap3A_40] : memref<2016x1xf32, #tpu.memory_space<vmem>>, vector<2016x1xf32>
    tpu.vector_store %arg12[%swap3A_39, %swap3A_40], %select_n3A_18 {strides = array<i32>} : memref<2016x1xf32, #tpu.memory_space<vmem>>, vector<2016x1xf32>,
    %reduce_sum3A_42 = arith.constant dense<0.000000e+00> : vector<128xf32>
    %reduce_sum3A_43 = vector.multi_reduction <add>, %select_n3A_29, %reduce_sum3A_42 [0] : vector<2016x128xf32> to vector<128xf32>
    %broadcast_in_dim3A_44 = vector.shape_cast %reduce_sum3A_43 : vector<128xf32> to vector<1x128xf32>
    %eq3A = arith.constant 0 : i32
    %eq3A_45 = arith.cmpi eq, %arg0, %eq3A : i32
    %convert_element_type3A = arith.extui %eq3A_45 : i1 to i32
    %cond3A = arith.constant 0 : i32
    %cond3A_46 = arith.cmpi ne, %convert_element_type3A, %cond3A : i32
    scf.if %cond3A_46 {
      %swap3A_57 = arith.constant 0 : index
      %swap3A_58 = arith.constant 0 : index
      %swap3A_59 = vector.load %arg15[%swap3A_57, %swap3A_58] : memref<8x128xf32, #tpu.memory_space<vmem>>, vector<1x128xf32>
      tpu.vector_store %arg15[%swap3A_57, %swap3A_58], %broadcast_in_dim3A_44 {strides = array<i32>} : memref<8x128xf32, #tpu.memory_space<vmem>>, vector<1x128xf32>,
    } else {
    }
    %gt3A_47 = arith.constant 0 : i32
    %gt3A_48 = arith.cmpi sgt, %arg0, %gt3A_47 : i32
    %convert_element_type3A_49 = arith.extui %gt3A_48 : i1 to i32
    %cond3A_50 = arith.constant 0 : i32
    %cond3A_51 = arith.cmpi ne, %convert_element_type3A_49, %cond3A_50 : i32
    scf.if %cond3A_51 {
      %get3A_57 = arith.constant 0 : index
      %get3A_58 = arith.constant 0 : index
      %get3A_59 = vector.load %arg15[%get3A_57, %get3A_58] : memref<8x128xf32, #tpu.memory_space<vmem>>, vector<1x128xf32>
      %add3A_60 = arith.addf %get3A_59, %broadcast_in_dim3A_44 : vector<1x128xf32>
      %swap3A_61 = arith.constant 0 : index
      %swap3A_62 = arith.constant 0 : index
      %swap3A_63 = vector.load %arg15[%swap3A_61, %swap3A_62] : memref<8x128xf32, #tpu.memory_space<vmem>>, vector<1x128xf32>
      tpu.vector_store %arg15[%swap3A_61, %swap3A_62], %add3A_60 {strides = array<i32>} : memref<8x128xf32, #tpu.memory_space<vmem>>, vector<1x128xf32>,
    } else {
    }
    %eq3A_52 = arith.constant 4 : i32
    %eq3A_53 = arith.cmpi eq, %arg0, %eq3A_52 : i32
    %convert_element_type3A_54 = arith.extui %eq3A_53 : i1 to i32
    %cond3A_55 = arith.constant 0 : i32
    %cond3A_56 = arith.cmpi ne, %convert_element_type3A_54, %cond3A_55 : i32
    scf.if %cond3A_56 {
      %get3A_57 = arith.constant 0 : index
      %get3A_58 = arith.constant 0 : index
      %get3A_59 = vector.load %arg15[%get3A_57, %get3A_58] : memref<8x128xf32, #tpu.memory_space<vmem>>, vector<1x128xf32>
      %mul3A_60 = arith.constant 9.99999974E-5 : f32
      %mul3A_61 = vector.broadcast %mul3A_60 : f32 to vector<1x128xf32>
      %mul3A_62 = arith.mulf %get3A_59, %mul3A_61 : vector<1x128xf32>
      %get3A_63 = arith.constant 0 : index
      %get3A_64 = arith.constant 0 : index
      %get3A_65 = vector.load %arg9[%get3A_63, %get3A_64] : memref<1x1xf32, #tpu.memory_space<vmem>>, vector<1x1xf32>
      %logistic3A = arith.negf %get3A_65 : vector<1x1xf32>
      %logistic3A_66 = math.exp %logistic3A : vector<1x1xf32>
      %logistic3A_67 = arith.constant 1.000000e+00 : f32
      %logistic3A_68 = vector.broadcast %logistic3A_67 : f32 to vector<1x1xf32>
      %logistic3A_69 = arith.addf %logistic3A_68, %logistic3A_66 : vector<1x1xf32>
      %logistic3A_70 = arith.divf %logistic3A_68, %logistic3A_69 : vector<1x1xf32>
      %get3A_71 = arith.constant 0 : index
      %get3A_72 = arith.constant 0 : index
      %get3A_73 = vector.load %arg5[%get3A_71, %get3A_72] : memref<128x128xf32, #tpu.memory_space<vmem>>, vector<128x128xf32>
      %dot_general3A = arith.constant dense<0.000000e+00> : vector<1x128xf32>
      %dot_general3A_74 = tpu.matmul %mul3A_62, %get3A_73, %dot_general3A {dimension_numbers = #tpu.dot_dimension_numbers<[1], [1], [0], [0], [0, 0, 1, 0], [], []>, transpose_lhs_hint = false} : vector<1x128xf32>, vector<128x128xf32>, vector<1x128xf32> -> vector<1x128xf32>
      %get3A_75 = arith.constant 0 : index
      %get3A_76 = arith.constant 0 : index
      %get3A_77 = vector.load %arg6[%get3A_75, %get3A_76] : memref<1x128xf32, #tpu.memory_space<vmem>>, vector<1x128xf32>
      %add3A_78 = arith.addf %dot_general3A_74, %get3A_77 : vector<1x128xf32>
      %max3A_79 = arith.constant 0.000000e+00 : f32
      %max3A_80 = vector.broadcast %max3A_79 : f32 to vector<1x128xf32>
      %max3A_81 = arith.maximumf %add3A_78, %max3A_80 : vector<1x128xf32>
      %get3A_82 = arith.constant 0 : index
      %get3A_83 = arith.constant 0 : index
      %get3A_84 = vector.load %arg7[%get3A_82, %get3A_83] : memref<128x128xf32, #tpu.memory_space<vmem>>, vector<128x128xf32>
      %dot_general3A_85 = arith.constant dense<0.000000e+00> : vector<1x128xf32>
      %dot_general3A_86 = tpu.matmul %max3A_81, %get3A_84, %dot_general3A_85 {dimension_numbers = #tpu.dot_dimension_numbers<[1], [1], [0], [0], [0, 0, 1, 0], [], []>, transpose_lhs_hint = false} : vector<1x128xf32>, vector<128x128xf32>, vector<1x128xf32> -> vector<1x128xf32>
      %get3A_87 = arith.constant 0 : index
      %get3A_88 = arith.constant 0 : index
      %get3A_89 = vector.load %arg8[%get3A_87, %get3A_88] : memref<1x128xf32, #tpu.memory_space<vmem>>, vector<1x128xf32>
      %add3A_90 = arith.addf %dot_general3A_86, %get3A_89 : vector<1x128xf32>
      %get3A_91 = arith.constant 0 : index
      %get3A_92 = arith.constant 0 : index
      %get3A_93 = vector.load %arg4[%get3A_91, %get3A_92] : memref<128x128xf32, #tpu.memory_space<vmem>>, vector<128x128xf32>
      %dot_general3A_94 = arith.constant dense<0.000000e+00> : vector<1x128xf32>
      %dot_general3A_95 = tpu.matmul %add3A_90, %get3A_93, %dot_general3A_94 {dimension_numbers = #tpu.dot_dimension_numbers<[1], [1], [0], [0], [0, 0, 1, 0], [], []>, transpose_lhs_hint = false} : vector<1x128xf32>, vector<128x128xf32>, vector<1x128xf32> -> vector<1x128xf32>
      %sub3A_96 = arith.constant 1.000000e+00 : f32
      %sub3A_97 = vector.broadcast %sub3A_96 : f32 to vector<1x1xf32>
      %sub3A_98 = arith.subf %sub3A_97, %logistic3A_70 : vector<1x1xf32>
      %mul3A_99 = vector.broadcast %sub3A_98 : vector<1x1xf32> to vector<1x128xf32>
      %mul3A_100 = arith.mulf %mul3A_99, %dot_general3A_95 : vector<1x128xf32>
      %get3A_101 = arith.constant 0 : index
      %get3A_102 = arith.constant 0 : index
      %get3A_103 = vector.load %arg10[%get3A_101, %get3A_102] : memref<1x128xf32, #tpu.memory_space<vmem>>, vector<1x128xf32>
      %add3A_104 = arith.addf %mul3A_100, %get3A_103 : vector<1x128xf32>
      %swap3A_105 = arith.constant 0 : index
      %swap3A_106 = arith.constant 0 : index
      %swap3A_107 = vector.load %arg14[%swap3A_105, %swap3A_106] : memref<1x128xf32, #tpu.memory_space<vmem>>, vector<1x128xf32>
      tpu.vector_store %arg14[%swap3A_105, %swap3A_106], %add3A_104 {strides = array<i32>} : memref<1x128xf32, #tpu.memory_space<vmem>>, vector<1x128xf32>,
      %get3A_108 = arith.constant 0 : index
      %get3A_109 = arith.constant 0 : index
      %get3A_110 = vector.load %arg3[%get3A_108, %get3A_109] : memref<128x128xf32, #tpu.memory_space<vmem>>, vector<128x128xf32>
      %get3A_111 = arith.constant 0 : index
      %get3A_112 = arith.constant 0 : index
      %get3A_113 = vector.load %arg4[%get3A_111, %get3A_112] : memref<128x128xf32, #tpu.memory_space<vmem>>, vector<128x128xf32>
      %dot_general3A_114 = arith.constant dense<0.000000e+00> : vector<128x128xf32>
      %dot_general3A_115 = tpu.matmul %get3A_110, %get3A_113, %dot_general3A_114 {dimension_numbers = #tpu.dot_dimension_numbers<[1], [1], [0], [0], [0, 0, 1, 0], [], []>, transpose_lhs_hint = false} : vector<128x128xf32>, vector<128x128xf32>, vector<128x128xf32> -> vector<128x128xf32>
      %mul3A_116 = vector.broadcast %logistic3A_70 : vector<1x1xf32> to vector<128x128xf32>
      %mul3A_117 = arith.mulf %mul3A_116, %dot_general3A_115 : vector<128x128xf32>
      %swap3A_118 = arith.constant 0 : index
      %swap3A_119 = arith.constant 0 : index
      %swap3A_120 = vector.load %arg13[%swap3A_118, %swap3A_119] : memref<128x128xf32, #tpu.memory_space<vmem>>, vector<128x128xf32>
      tpu.vector_store %arg13[%swap3A_118, %swap3A_119], %mul3A_117 {strides = array<i32>} : memref<128x128xf32, #tpu.memory_space<vmem>>, vector<128x128xf32>,
    } else {
    }
    return
  }
  func.func @transform_0(%arg0: i32) -> (i32, i32) {
    %c0_i32 = arith.constant 0 : i32
    %c0_i32_0 = arith.constant 0 : i32
    return %arg0, %c0_i32 : i32, i32
  }
  func.func @transform_1(%arg0: i32) -> (i32, i32, i32) {
    %c0_i32 = arith.constant 0 : i32
    %c0_i32_0 = arith.constant 0 : i32
    %c0_i32_1 = arith.constant 0 : i32
    return %arg0, %c0_i32, %c0_i32_0 : i32, i32, i32
  }
  func.func @transform_2(%arg0: i32) -> (i32, i32) {
    %c0_i32 = arith.constant 0 : i32
    %c0_i32_0 = arith.constant 0 : i32
    %c0_i32_1 = arith.constant 0 : i32
    return %c0_i32, %c0_i32_0 : i32, i32
  }
  func.func @transform_3(%arg0: i32) -> (i32, i32) {
    %c0_i32 = arith.constant 0 : i32
    %c0_i32_0 = arith.constant 0 : i32
    %c0_i32_1 = arith.constant 0 : i32
    return %c0_i32, %c0_i32_0 : i32, i32
  }
  func.func @transform_4(%arg0: i32) -> (i32, i32) {
    %c0_i32 = arith.constant 0 : i32
    %c0_i32_0 = arith.constant 0 : i32
    %c0_i32_1 = arith.constant 0 : i32
    return %c0_i32, %c0_i32_0 : i32, i32
  }
  func.func @transform_5(%arg0: i32) -> (i32, i32) {
    %c0_i32 = arith.constant 0 : i32
    %c0_i32_0 = arith.constant 0 : i32
    %c0_i32_1 = arith.constant 0 : i32
    return %c0_i32, %c0_i32_0 : i32, i32
  }
  func.func @transform_6(%arg0: i32) -> (i32, i32) {
    %c0_i32 = arith.constant 0 : i32
    %c0_i32_0 = arith.constant 0 : i32
    %c0_i32_1 = arith.constant 0 : i32
    return %c0_i32, %c0_i32_0 : i32, i32
  }
  func.func @transform_7(%arg0: i32) -> (i32, i32) {
    %c0_i32 = arith.constant 0 : i32
    %c0_i32_0 = arith.constant 0 : i32
    %c0_i32_1 = arith.constant 0 : i32
    return %c0_i32, %c0_i32_0 : i32, i32
  }
  func.func @transform_8(%arg0: i32) -> (i32, i32) {
    %c0_i32 = arith.constant 0 : i32
    %c0_i32_0 = arith.constant 0 : i32
    %c0_i32_1 = arith.constant 0 : i32
    return %c0_i32, %c0_i32_0 : i32, i32
  }
  func.func @transform_9(%arg0: i32) -> (i32, i32) {
    %c0_i32 = arith.constant 0 : i32
    %c0_i32_0 = arith.constant 0 : i32
    %c0_i32_1 = arith.constant 0 : i32
    return %c0_i32, %c0_i32_0 : i32, i32
  }
  func.func @transform_10(%arg0: i32) -> (i32, i32) {
    %c0_i32 = arith.constant 0 : i32
    %c0_i32_0 = arith.constant 0 : i32
    return %arg0, %c0_i32 : i32, i32
  }
  func.func @transform_11(%arg0: i32) -> (i32, i32) {
    %c0_i32 = arith.constant 0 : i32
    %c0_i32_0 = arith.constant 0 : i32
    return %arg0, %c0_i32 : i32, i32
  }
  func.func @transform_12(%arg0: i32) -> (i32, i32) {
    %c0_i32 = arith.constant 0 : i32
    %c0_i32_0 = arith.constant 0 : i32
    %c0_i32_1 = arith.constant 0 : i32
    return %c0_i32, %c0_i32_0 : i32, i32
  }
  func.func @transform_13(%arg0: i32) -> (i32, i32) {
    %c0_i32 = arith.constant 0 : i32
    %c0_i32_0 = arith.constant 0 : i32
    %c0_i32_1 = arith.constant 0 : i32
    return %c0_i32, %c0_i32_0 : i32, i32
  }
}

module attributes {stable_mosaic.version = 14 : i64} {
  func.func @fin_k(%arg0: i32, %arg1: memref<2x2000x128xf32, #tpu.memory_space<vmem>>, %arg2: memref<2000x1xf32, #tpu.memory_space<vmem>>, %arg3: memref<128x128xf32, #tpu.memory_space<vmem>>, %arg4: memref<1x128xf32, #tpu.memory_space<vmem>>, %arg5: memref<2000x128xf32, #tpu.memory_space<vmem>>) attributes {dimension_semantics = [#tpu.dimension_semantics<arbitrary>], iteration_bounds = array<i64: 5>, scalar_prefetch = 0 : i64, scratch_operands = 0 : i64, tpu.core_type = #tpu.core_type<tc>, window_params = [{transform_indices = @transform_0, window_bounds = array<i64: 2, 2000, 128>}, {transform_indices = @transform_1, window_bounds = array<i64: 2000, 1>}, {pipeline_mode = #tpu.pipeline_mode<synchronous>, transform_indices = @transform_2, window_bounds = array<i64: 128, 128>}, {pipeline_mode = #tpu.pipeline_mode<synchronous>, transform_indices = @transform_3, window_bounds = array<i64: 1, 128>}, {transform_indices = @transform_4, window_bounds = array<i64: 2000, 128>}]} {
    %get3A = arith.constant 0 : index
    %get3A_0 = arith.constant 0 : index
    %get3A_1 = arith.constant 0 : index
    %get3A_2 = vector.load %arg1[%get3A, %get3A_0, %get3A_1] : memref<2x2000x128xf32, #tpu.memory_space<vmem>>, vector<1x2000x128xf32>
    %get3A_3 = vector.shape_cast %get3A_2 : vector<1x2000x128xf32> to vector<2000x128xf32>
    %get3A_4 = arith.constant 1 : index
    %get3A_5 = arith.constant 0 : index
    %get3A_6 = arith.constant 0 : index
    %get3A_7 = vector.load %arg1[%get3A_4, %get3A_5, %get3A_6] : memref<2x2000x128xf32, #tpu.memory_space<vmem>>, vector<1x2000x128xf32>
    %get3A_8 = vector.shape_cast %get3A_7 : vector<1x2000x128xf32> to vector<2000x128xf32>
    %add3A = arith.addf %get3A_3, %get3A_8 : vector<2000x128xf32>
    %get3A_9 = arith.constant 0 : index
    %get3A_10 = arith.constant 0 : index
    %get3A_11 = vector.load %arg2[%get3A_9, %get3A_10] : memref<2000x1xf32, #tpu.memory_space<vmem>>, vector<2000x1xf32>
    %mul3A = vector.broadcast %get3A_11 : vector<2000x1xf32> to vector<2000x128xf32>
    %mul3A_12 = arith.mulf %add3A, %mul3A : vector<2000x128xf32>
    %get3A_13 = arith.constant 0 : index
    %get3A_14 = arith.constant 0 : index
    %get3A_15 = vector.load %arg3[%get3A_13, %get3A_14] : memref<128x128xf32, #tpu.memory_space<vmem>>, vector<128x128xf32>
    %dot_general3A = arith.constant dense<0.000000e+00> : vector<2000x128xf32>
    %dot_general3A_16 = tpu.matmul %mul3A_12, %get3A_15, %dot_general3A {dimension_numbers = #tpu.dot_dimension_numbers<[1], [0], [0], [1], [0, 0, 1, 1], [], []>, transpose_lhs_hint = false} : vector<2000x128xf32>, vector<128x128xf32>, vector<2000x128xf32> -> vector<2000x128xf32>
    %get3A_17 = arith.constant 0 : index
    %get3A_18 = arith.constant 0 : index
    %get3A_19 = vector.load %arg4[%get3A_17, %get3A_18] : memref<1x128xf32, #tpu.memory_space<vmem>>, vector<1x128xf32>
    %add3A_20 = vector.broadcast %get3A_19 : vector<1x128xf32> to vector<2000x128xf32>
    %add3A_21 = arith.addf %dot_general3A_16, %add3A_20 : vector<2000x128xf32>
    %swap3A = arith.constant 0 : index
    %swap3A_22 = arith.constant 0 : index
    %swap3A_23 = vector.load %arg5[%swap3A, %swap3A_22] : memref<2000x128xf32, #tpu.memory_space<vmem>>, vector<2000x128xf32>
    tpu.vector_store %arg5[%swap3A, %swap3A_22], %add3A_21 {strides = array<i32>} : memref<2000x128xf32, #tpu.memory_space<vmem>>, vector<2000x128xf32>,
    return
  }
  func.func @transform_0(%arg0: i32) -> (i32, i32, i32) {
    %c0_i32 = arith.constant 0 : i32
    %c0_i32_0 = arith.constant 0 : i32
    %c0_i32_1 = arith.constant 0 : i32
    return %c0_i32, %arg0, %c0_i32_0 : i32, i32, i32
  }
  func.func @transform_1(%arg0: i32) -> (i32, i32) {
    %c0_i32 = arith.constant 0 : i32
    %c0_i32_0 = arith.constant 0 : i32
    return %arg0, %c0_i32 : i32, i32
  }
  func.func @transform_2(%arg0: i32) -> (i32, i32) {
    %c0_i32 = arith.constant 0 : i32
    %c0_i32_0 = arith.constant 0 : i32
    %c0_i32_1 = arith.constant 0 : i32
    return %c0_i32, %c0_i32_0 : i32, i32
  }
  func.func @transform_3(%arg0: i32) -> (i32, i32) {
    %c0_i32 = arith.constant 0 : i32
    %c0_i32_0 = arith.constant 0 : i32
    %c0_i32_1 = arith.constant 0 : i32
    return %c0_i32, %c0_i32_0 : i32, i32
  }
  func.func @transform_4(%arg0: i32) -> (i32, i32) {
    %c0_i32 = arith.constant 0 : i32
    %c0_i32_0 = arith.constant 0 : i32
    return %arg0, %c0_i32 : i32, i32
  }
}

</mosaic_0001>

<sc_bundles>
// kernel: kernel.6.cloned.1.call-start
scs
__scs_entry_jumppad:
0x0: {  	(pc) =	sbr.rel $0x88, $3  }
0x1: {  	(tag) =	ssettag $0x0;
	lr =	simm.s32 $0x1  }
0x2: {  	[smem:$0x3F97] =	sst lr;
	_ =	strace $0xD0000000  }
0x3: {  	_ = 	snop  }
0x4: {  	_ = 	snop  }
0x5: {  	_ = 	snop  }
0x6: {  	_ = 	snop  }
0x7: {  	_ = 	snop  }
__scs_overlays_trampoline_lowered:
0x8: {  	[smem:$0x3FA6] =	sst s0  }
0x9: {  	[smem:$0x3FA7] =	sst s1  }
0xa: {  	[smem:$0x3FA8] =	sst s2  }
0xb: {  	[smem:$0x3FA9] =	sst s3  }
0xc: {  	[smem:$0x3FAA] =	sst s4  }
0xd: {  	[smem:$0x3FAB] =	sst s5  }
0xe: {  	[smem:$0x3FAC] =	sst s6  }
0xf: {  	[smem:$0x3FAD] =	sst s7  }
0x10: {  	[smem:$0x3FAE] =	sst s8  }
0x11: {  	[smem:$0x3FAF] =	sst s9;
	s0 =	simm.s32 @!p0 $0x0  }
0x12: {  	s1 =	sld [smem:$0x3F95];
	s0 =	simm.s32 @p0 $0x1  }
0x13: {  	[smem:$0x3FB0] =	sst s0;
	s0 =	simm.s32 @!p1 $0x0  }
0x14: {  	s2 =	sld [smem:$0x3F94];
	s0 =	simm.s32 @p1 $0x1  }
0x15: {  	[smem:$0x3FB1] =	sst s0;
	s0 =	simm.s32 @!p2 $0x0  }
0x16: {  	s3 =	sld [smem:$0x3FDB];
	s0 =	simm.s32 @p2 $0x1  }
0x17: {  	s4 =	simm.s32 $0x1BF5;
	[smem:$0x3FB3] =	sst s0  }
0x18: {  	s0 =	sld [smem:$0x3F96];
	_ =	swait.ge [sflag:s4], $0x0  }
0x19: {  	s7 =	sld [smem:$0x3F97]  }
0x1a: {  	s8 =	sadd.s32 $0xFFFFE003, lr  }
0x1b: {  	s9 =	sadd.s32 $0xFFFFFEF7, lr;
	s5 =	simm.s32 $0xFFFFFFFF;
	p2 =	slt.u32 s8, $0xFFFFF086  }
0x1c: {  	p1 =	slt.u32 s9, $0xF7A;
	s5 =	simm.s32 @!p2 $0x0  }
0x1d: {  	s5 =	simm.s32 @p1 $0x1;
	p0 =	seq.s32 s7, s2  }
0x1e: {  	s7 =	smul.u32 @!p0 $0xF7A, s2;
	p2 =	seq.s32 @!p0 s5, $0x0  }
0x1f: {  	s9 =	smul.u32 $0xF7A, s1;
	s8 =	simm.s32 @!p0 $0x1BF5;
	p2 =	por !p2, p0  }
0x20: {  	[sflag:s8] =	ssyncset.s32 @!p0 $0xFFFFF086;
	s6 =	sadd.s32 @!p0 s3, s7;
	s7 =	simm.s32 @!p0 $0x108  }
0x21: {  	s3 =	sadd.s32 s3, s9;
	s6 =	sadd.s32 @!p0 $0x88, s6;
	s7 =	simm.s32 @p2 $0x1082  }
0x22: {  	[simem:s7], [sflag:s8] =	dma.local @!p0 [hbm:s6], $0xF7A  }
0x23: {  	s9 =	sor.u32 $0xD0000000, s2;
	s6 =	simm.s32 $0x108;
	_ =	swait.ge @!p0 [sflag:s8], $0x0  }
0x24: {  	s3 =	sadd.s32 $0x88, s3;
	s6 =	simm.s32 @!p1 $0x1082;
	[sflag:s4] =	ssyncset.s32 $0xFFFFF086  }
0x25: {  	[simem:s6], [sflag:s4] =	dma.local [hbm:s3], $0xF7A  }
0x26: {  	[smem:$0x3F97] =	sst s1;
	(tag) =	ssettag s2;
	_ =	strace s9  }
0x27: {  	s1 =	sld [smem:$0x3FA7]  }
0x28: {  	s2 =	sld [smem:$0x3FA8]  }
0x29: {  	s4 =	sld [smem:$0x3FAA]  }
0x2a: {  	p0 =	seq.s32 s5, $0x0;
	s5 =	sld [smem:$0x3FAB]  }
0x2b: {  	s6 =	sld [smem:$0x3FAC]  }
0x2c: {  	s7 =	sld [smem:$0x3FAD]  }
0x2d: {  	s3 =	simm.s32 $0x108;
	s8 =	sld [smem:$0x3FAE]  }
0x2e: {  	s3 =	simm.s32 @!p0 $0x1082;
	s9 =	sld [smem:$0x3FAF]  }
0x2f: {  	lr =	sadd.s32 s0, s3;
	s0 =	sld [smem:$0x3FA6]  }
0x30: {  	s3 =	sld [smem:$0x3FA9]  }
0x31: {  	[smem:$0x3FB2] =	sst s10  }
0x32: {  	s10 =	sld [smem:$0x3FB0];
	_ =	sdelay $0x3  }
0x33: {  	p0 =	seq.s32 s10, $0x1;
	s10 =	sld [smem:$0x3FB2];
	_ =	sdelay $0x3  }
0x34: {  	[smem:$0x3FB2] =	sst s10  }
0x35: {  	s10 =	sld [smem:$0x3FB1];
	_ =	sdelay $0x3  }
0x36: {  	p1 =	seq.s32 s10, $0x1;
	s10 =	sld [smem:$0x3FB2];
	_ =	sdelay $0x3  }
0x37: {  	[smem:$0x3FB2] =	sst s10  }
0x38: {  	s10 =	sld [smem:$0x3FB3]  }
0x39: {  	_ = 	snop;
	(pc) =	sbr.ind lr, $3  }
0x3a: {  	_ = 	snop  }
0x3b: {  	_ = 	snop  }
0x3c: {  	p2 =	seq.s32 s10, $0x1;
	s10 =	sld [smem:$0x3FB2]  }
0x3d: {  	_ =	shalt  }
0x3e: {  	_ =	shalt  }
0x3f: {  	_ =	shalt  }
0x40: {  	_ =	shalt  }
0x41: {  	_ =	shalt  }
0x42: {  	_ =	shalt  }
0x43: {  	_ =	shalt  }
0x44: {  	_ =	shalt  }
0x45: {  	_ =	shalt  }
0x46: {  	_ =	shalt  }
0x47: {  	_ =	shalt  }
0x48: {  	_ =	shalt  }
0x49: {  	_ =	shalt  }
0x4a: {  	_ =	shalt  }
0x4b: {  	_ =	shalt  }
0x4c: {  	_ =	shalt  }
0x4d: {  	_ =	shalt  }
0x4e: {  	_ =	shalt  }
0x4f: {  	_ =	shalt  }
0x50: {  	_ =	shalt  }
0x51: {  	_ =	shalt  }
0x52: {  	_ =	shalt  }
0x53: {  	_ =	shalt  }
0x54: {  	_ =	shalt  }
0x55: {  	_ =	shalt  }
0x56: {  	_ =	shalt  }
0x57: {  	_ =	shalt  }
0x58: {  	_ =	shalt  }
0x59: {  	_ =	shalt  }
0x5a: {  	_ =	shalt  }
0x5b: {  	_ =	shalt  }
0x5c: {  	_ =	shalt  }
0x5d: {  	_ =	shalt  }
0x5e: {  	_ =	shalt  }
0x5f: {  	_ =	shalt  }
0x60: {  	_ =	shalt  }
0x61: {  	_ =	shalt  }
0x62: {  	_ =	shalt  }
0x63: {  	_ =	shalt  }
0x64: {  	_ =	shalt  }
0x65: {  	_ =	shalt  }
0x66: {  	_ =	shalt  }
0x67: {  	_ =	shalt  }
0x68: {  	_ =	shalt  }
0x69: {  	_ =	shalt  }
0x6a: {  	_ =	shalt  }
0x6b: {  	_ =	shalt  }
0x6c: {  	_ =	shalt  }
0x6d: {  	_ =	shalt  }
0x6e: {  	_ =	shalt  }
0x6f: {  	_ =	shalt  }
0x70: {  	_ =	shalt  }
0x71: {  	_ =	shalt  }
0x72: {  	_ =	shalt  }
0x73: {  	_ =	shalt  }
0x74: {  	_ =	shalt  }
0x75: {  	_ =	shalt  }
0x76: {  	_ =	shalt  }
0x77: {  	_ =	shalt  }
0x78: {  	_ =	shalt  }
0x79: {  	_ =	shalt  }
0x7a: {  	_ =	shalt  }
0x7b: {  	_ =	shalt  }
0x7c: {  	_ =	shalt  }
0x7d: {  	_ =	shalt  }
0x7e: {  	_ =	shalt  }
0x7f: {  	_ =	shalt  }
0x80: {  	_ =	shalt  }
0x81: {  	_ =	shalt  }
0x82: {  	_ =	shalt  }
0x83: {  	_ =	shalt  }
0x84: {  	_ =	shalt  }
0x85: {  	_ =	shalt  }
0x86: {  	_ =	shalt  }
0x87: {  	_ =	shalt  }
.Lfunc_end0:
.L_simem_size_0:
called_computation_lowered:
.L_overlay_start_0:
0x88: {  	s2 =	sld [smem:$0x3FD9]  }
0x89: {  	s3 =	sld [smem:$0x3FFE];
	_ =	sdelay $0x1  }
0x8a: {  	s1 =	srdreg.scid  }
0x8b: {  	s0 =	sand.u32 $0x1, s1  }
0x8c: {  	s17 =	sshll.u32 s0, $0xA;
	s2 =	sadd.s32 s3, s2  }
0x8d: {  	s2 =	sadd.s32 s2, s17  }
0x8e: {  	[smem:$0x3FBE] =	sst s2  }
0x8f: {  	_ = 	snop  }
0x90: {  	s2 =	sld [smem:$0x3FD0];
	(tm) =	ssettm $0x1  }
0x91: {  	s18 =	sld [smem:$0x3FFB];
	_ =	sdelay $0x3  }
0x92: {  	_ =	strace s18  }
0x93: {  	s3 =	sld [smem:$0x3FFC];
	_ =	sdelay $0x3  }
0x94: {  	_ =	strace s3  }
0x95: {  	s3 =	sld [smem:$0x3FFD];
	_ =	sdelay $0x3  }
0x96: {  	_ =	strace s3  }
0x97: {  	_ =	strace $0x8FFFFFFF  }
0x98: {  	s19 =	sld [smem:$0x3FDB];
	_ =	sdelay $0x1  }
0x99: {  	s4 =	simm.s32 $_scs_section_size  }
0x9a: {  	s5 =	simm.s32 $_size__tile_overlayer_lowered;
	s6 =	simm.s32 $_tile_overlayer_lowered  }
0x9b: {  	s22 =	simm.s32 $0x1BFF;
	s21 =	sshll.u32 s6, $0x1;
	s3 =	sadd.s32 s4, s19  }
0x9c: {  	s7 =	simm.s32 $0x0;
	s20 =	sshll.u32 s5, $0x1;
	s5 =	sadd.s32 s21, s3  }
0x9d: {  	[timem:s7], [sflag:s22] =	dma.local [hbm:s5], s20  }
0x9e: {  	_ =	swait.ge [sflag:s22], s20  }
0x9f: {  	s4 =	ssub.s32 $0x0, s20;
	[sflag:s22] =	ssyncset.done $0x0  }
0xa0: {  	[sflag:s22] =	ssyncadd.s32 s4;
	_ =	sdelay $0x1  }
0xa1: {  	s23 =	simm.s32 $0x1B8B  }
0xa2: {  	_ =	swait.ge [sflag:s23], $0x1  }
0xa3: {  	[sflag:s23] =	ssyncset.done $0x0  }
0xa4: {  	s25 =	simm.s32 $0x1B8E;
	s24 =	sld [smem:$0x3FFE];
	[sflag:s23] =	ssyncadd.s32 $0xFFFFFFFF  }
0xa5: {  	s26 =	simm.s32 $execute0_lowered;
	[smem:$0x3FD2] =	sst s25  }
0xa6: {  	s5 =	sshll.u32 s26, $0x1;
	_ =	strace $0x80000046;
	[dreg:$0x1] =	wrdreg $0xFFFFFFFF  }
0xa7: {  	s28 =	simm.s32 $_size_execute0_lowered;
	s3 =	sadd.s32 s3, s5;
	[dreg:$0x0] =	wrdreg $0x0  }
0xa8: {  	s5 =	sshll.u32 s28, $0x1;
	[dreg:$0x2] =	wrdreg s3  }
0xa9: {  	[dreg:$0x3] =	wrdreg s5  }
0xaa: {  	[dreg:$0x4] =	wrdreg $0xC0  }
0xab: {  	_ =	task [dreg:s7], $0x5FFFF  }
0xac: {  	[dreg:$0x1] =	wrdreg $0xFFFFFFFF  }
0xad: {  	[dreg:$0x0] =	wrdreg $0x60  }
0xae: {  	[dreg:$0x2] =	wrdreg s2  }
0xaf: {  	[dreg:$0x3] =	wrdreg s24  }
0xb0: {  	[dreg:$0x4] =	wrdreg $0x0  }
0xb1: {  	[dreg:$0x5] =	wrdreg $0x9  }
0xb2: {  	_ =	task.clear_ibuf [dreg:s7], $0x6FFFF;
	_ =	strace $0x90000046  }
0xb3: {  	s29 =	simm.s32 $0x9;
	_ =	strace $0x80000048  }
0xb4: {  	_ =	swait.ge [sflag:s29], $0x1  }
0xb5: {  	[sflag:s29] =	ssyncadd.s32 $0xFFFFFFFF  }
0xb6: {  	_ =	strace $0x90000048  }
0xb7: {  	_ =	sfence  }
0xb8: {  	s30 =	sld [smem:$0x0];
	_ =	sdelay $0x2  }
0xb9: {  	s31 =	sshll.u32 s1, $0xD;
	s1 =	sshrl.u32 s1, $0x2  }
0xba: {  	s3 =	sand.u32 $0x4000, s31;
	s1 =	sadd.s32 s1, s30  }
0xbb: {  	s0 =	sor.u32 s3, s0;
	s1 =	sshll.u32 s1, $0x11  }
0xbc: {  	s0 =	sor.u32 s1, s0  }
0xbd: {  	s0 =	sadd.s32 $0x8F2B, s0  }
0xbe: {  	[sflag:s0] =	ssyncadd.remote.s32 $0x1  }
0xbf: {  	_ =	sfence.sel $0xFFFF  }
0xc0: {  	[dreg:$0x0] =	wrdreg $0xFFFFFFFF;
	(pc) =	sbr.abs _section_cstart, $3  }
0xc1: {  	[dreg:$0x1] =	wrdreg $0xFFFFFFFF  }
0xc2: {  	_ =	task.clear_ibuf [dreg:s7], $0x2FFFF;
	_ =	strace $0x9FFFFFFF  }
0xc3: {  	(tm) =	ssettm $0x7FFFFFFF  }
tec
execute0_lowered:
.L_overlay_start_1:
0x0: {  	(tag) =	ssettag $0x1  }
0x1: {  	s5 =	rddreg [dreg:$0x0]  }
0x2: {  	s3 =	rddreg [dreg:$0x1]  }
0x3: {  	s1 =	rddreg [dreg:$0x2]  }
0x4: {  	s0 =	rddreg [dreg:$0x3]  }
0x5: {  	s2 =	simm.s32 $0x0;
	s4 =	srdreg.scid;
	s9 =	stileid.u32  }
0x6: {  	s12 =	simm.s32 $0x80;
	s13 =	simm.s32 $0x2A78;
	s14 =	simm.s32 $0x1  }
0x7: {  	s15 =	simm.s32 $0x0;
	[smem:$0x7FF] =	sst s2;
	s4 =	sand.u32 $0x1, s4  }
0x8: {  	s6 =	sadd.s32 $0x1C00, s3;
	s7 =	smul.u32 $0x270, s9;
	s10 =	sshll.u32 s9, $0x1  }
0x9: {  	p0 =	sne.s32 s9, $0x0;
	s9 =	simm.s32 $0x2AF8;
	_ =	strace $0x80000047  }
0xa: {  	s31 =	ssub.s32 $0x2, s4;
	s11 =	smul.u32 $0x2710, s4;
	s4 =	sor.u32 s4, s10  }
0xb: {  	s8 =	sshrl.u32 s31, $0x1;
	s3 =	sadd.s32 s7, s1;
	s10 =	smul.u32 $0x500, s4  }
0xc: {  	s4 =	sadd.s32 $0x2700, s1;
	s7 =	sadd.s32 s7, s11;
	s11 =	sshrl.u32 s11, $0x3  }
0xd: {  	s8 =	ssub.s32 s31, s8;
	s7 =	sshrl.u32 s7, $0x3;
	s11 =	sadd.s32 s6, s11  }
0xe: {  	s5 =	sadd.s32 s5, s10;
	s8 =	smax.u32 s8, $0x1;
	s10 =	simm.s32 $0x2  }
0xf: {  	v0 =	vimm.f32 $1.000000000e+00;
	v1 =	vimm.f32 $0.0e+00;
	s6 =	sadd.s32 s6, s7;
	s7 =	sadd.s32 $0x4E0, s11;
	s11 =	simm.s32 $0x278  }
.LBB2_1:
0x10: {  	[tilespmem:$0x2A78] =	vst v0  }
0x11: {  	[tilespmem:$0x2A88] =	vst v0  }
0x12: {  	[tilespmem:$0x2A98] =	vst v0  }
0x13: {  	[tilespmem:$0x2AA8] =	vst v0  }
0x14: {  	[tilespmem:$0x2AB8] =	vst v0  }
0x15: {  	[tilespmem:$0x2AC8] =	vst v0  }
0x16: {  	[tilespmem:$0x2AD8] =	vst v0  }
0x17: {  	[tilespmem:$0x2AE8] =	vst v0  }
0x18: {  	[tilespmem:$0x2AF8] =	vst v1  }
0x19: {  	[tilespmem:$0x2B08] =	vst v1  }
0x1a: {  	[tilespmem:$0x2B18] =	vst v1  }
0x1b: {  	[tilespmem:$0x2B28] =	vst v1  }
0x1c: {  	[tilespmem:$0x2B38] =	vst v1  }
0x1d: {  	[tilespmem:$0x2B48] =	vst v1  }
0x1e: {  	[tilespmem:$0x2B58] =	vst v1  }
0x1f: {  	[tilespmem:$0x2B68] =	vst v1  }
0x20: {  	[tilespmem:$0x2B78] =	vst v1  }
0x21: {  	[tilespmem:$0x2B88] =	vst v1  }
0x22: {  	[tilespmem:$0x2B98] =	vst v1  }
0x23: {  	[tilespmem:$0x2BA8] =	vst v1  }
0x24: {  	[tilespmem:$0x2BB8] =	vst v1  }
0x25: {  	[tilespmem:$0x2BC8] =	vst v1  }
0x26: {  	[tilespmem:$0x2BD8] =	vst v1  }
0x27: {  	[tilespmem:$0x2BE8] =	vst v1  }
0x28: {  	[tilespmem:$0x2BF8] =	vst v1  }
0x29: {  	[tilespmem:$0x2C08] =	vst v1  }
0x2a: {  	[tilespmem:$0x2C18] =	vst v1  }
0x2b: {  	[tilespmem:$0x2C28] =	vst v1  }
0x2c: {  	[tilespmem:$0x2C38] =	vst v1  }
0x2d: {  	[tilespmem:$0x2C48] =	vst v1  }
0x2e: {  	[tilespmem:$0x2C58] =	vst v1  }
0x2f: {  	[tilespmem:$0x2C68] =	vst v1  }
0x30: {  	[tilespmem:$0x2C78] =	vst v1  }
0x31: {  	[tilespmem:$0x2C88] =	vst v1  }
0x32: {  	[tilespmem:$0x2C98] =	vst v1  }
0x33: {  	[tilespmem:$0x2CA8] =	vst v1  }
0x34: {  	[tilespmem:$0x2CB8] =	vst v1  }
0x35: {  	[tilespmem:$0x2CC8] =	vst v1  }
0x36: {  	[tilespmem:$0x2CD8] =	vst v1  }
0x37: {  	[tilespmem:$0x2CE8] =	vst v1  }
0x38: {  	[tilespmem:$0x2CF8] =	vst v1  }
0x39: {  	[tilespmem:$0x2D08] =	vst v1  }
0x3a: {  	[tilespmem:$0x2D18] =	vst v1  }
0x3b: {  	[tilespmem:$0x2D28] =	vst v1  }
0x3c: {  	[tilespmem:$0x2D38] =	vst v1  }
0x3d: {  	[tilespmem:$0x2D48] =	vst v1  }
0x3e: {  	[tilespmem:$0x2D58] =	vst v1  }
0x3f: {  	[spmem:s3] =	stream.linear.scatter [tilespmem:s9], [sflag:$0x2], $0x270, $0x38;
	[tilespmem:$0x2D78] =	vst v63  }
0x40: {  	_ =	swait.ge [sflag:s10], $0x270  }
0x41: {  	[sflag:s10] =	ssyncset.done $0x0  }
0x42: {  	s16 =	simm.s32 @!p0 $0x2AF8;
	[sflag:s10] =	ssyncadd.s32 $0xFFFFFD90  }
0x43: {  	[spmem:s4] =	stream.linear.scatter @!p0 [tilespmem:s16], [sflag:$0x2], $0x10, $0x38;
	[tilespmem:$0x2D78] =	vst v63  }
0x44: {  	s16 =	simm.s32 @!p0 $0x2  }
0x45: {  	_ =	swait.ge @!p0 [sflag:s16], $0x10  }
0x46: {  	[sflag:s16] =	ssyncset.done @!p0 $0x0  }
0x47: {  	[sflag:s16] =	ssyncadd.s32 @!p0 $0xFFFFFFF0  }
0x48: {  	[tilespmem:s11], [sflag:$0x2] =	stream.linear.gather [hbm4b:s5+s2], $0x2800, $0x38;
	[tilespmem:$0x2D78] =	vst v63  }
0x49: {  	_ =	swait.ge [sflag:s10], $0x2800  }
0x4a: {  	[sflag:s10] =	ssyncset.done $0x0  }
0x4b: {  	[sflag:s10] =	ssyncadd.s32 $0xFFFFD800  }
0x4c: {  	s28 =	simm.s32 $0x278;
	[bflag:$0x0] =	sbarrier.arrive $0xFFFF  }
0x4d: {  	[spmem:s1] =	stream.indirect.scatter.add.f32 [tilespmem:s13], [sflag:$0x1], $0x1, s28, s12, $0xb8;
	[tilespmem:$0x2D78] =	vst v63  }
0x4e: {  	s29 =	simm.s32 $0x2F8  }
0x4f: {  	[spmem:s1] =	stream.indirect.scatter.add.f32 [tilespmem:s13], [sflag:$0x1], $0x1, s29, s12, $0xb8;
	[tilespmem:$0x2D78] =	vst v63  }
0x50: {  	s30 =	simm.s32 $0x378  }
0x51: {  	[spmem:s1] =	stream.indirect.scatter.add.f32 [tilespmem:s13], [sflag:$0x1], $0x1, s30, s12, $0xb8;
	[tilespmem:$0x2D78] =	vst v63  }
0x52: {  	s31 =	simm.s32 $0x3F8  }
0x53: {  	[spmem:s1] =	stream.indirect.scatter.add.f32 [tilespmem:s13], [sflag:$0x1], $0x1, s31, s12, $0xb8;
	[tilespmem:$0x2D78] =	vst v63  }
0x54: {  	_ =	swait.ge [sflag:s14], $0x80  }
0x55: {  	[sflag:s14] =	ssyncset.done $0x0  }
0x56: {  	[sflag:s14] =	ssyncadd.s32 $0xFFFFFF80  }
0x57: {  	_ =	swait.ge [sflag:s14], $0x80  }
0x58: {  	[sflag:s14] =	ssyncset.done $0x0  }
0x59: {  	[sflag:s14] =	ssyncadd.s32 $0xFFFFFF80  }
0x5a: {  	_ =	swait.ge [sflag:s14], $0x80  }
0x5b: {  	[sflag:s14] =	ssyncset.done $0x0  }
0x5c: {  	[sflag:s14] =	ssyncadd.s32 $0xFFFFFF80  }
0x5d: {  	_ =	swait.ge [sflag:s14], $0x80  }
0x5e: {  	s17 =	simm.s32 $0x1000;
	s16 =	simm.s32 $0x200;
	[sflag:s14] =	ssyncset.done $0x0  }
.LBB2_2:
0x5f: {  	s18 =	sadd.s32 $0x278, s16  }
0x60: {  	[sflag:s14] =	ssyncadd.s32 $0xFFFFFF80;
	s19 =	smov.u32 s17;
	s20 =	sadd.s32 $0x800, s17  }
0x61: {  	[spmem:s1] =	stream.indirect.scatter.add.f32 [tilespmem:s13], [sflag:$0x1], $0x1, s18, s12, $0xb8;
	[tilespmem:$0x2D78] =	vst v63  }
0x62: {  	p1 =	sne.s32 s17, $0x9800;
	s17 =	sadd.s32 $0x2F8, s16  }
0x63: {  	[spmem:s1] =	stream.indirect.scatter.add.f32 [tilespmem:s13], [sflag:$0x1], $0x1, s17, s12, $0xb8;
	[tilespmem:$0x2D78] =	vst v63  }
0x64: {  	s17 =	sadd.s32 $0x378, s16  }
0x65: {  	[spmem:s1] =	stream.indirect.scatter.add.f32 [tilespmem:s13], [sflag:$0x1], $0x1, s17, s12, $0xb8;
	[tilespmem:$0x2D78] =	vst v63  }
0x66: {  	s16 =	sadd.s32 $0x3F8, s16  }
0x67: {  	[spmem:s1] =	stream.indirect.scatter.add.f32 [tilespmem:s13], [sflag:$0x1], $0x1, s16, s12, $0xb8;
	[tilespmem:$0x2D78] =	vst v63  }
0x68: {  	_ =	swait.ge [sflag:s14], $0x80  }
0x69: {  	[sflag:s14] =	ssyncset.done $0x0  }
0x6a: {  	[sflag:s14] =	ssyncadd.s32 $0xFFFFFF80  }
0x6b: {  	_ =	swait.ge [sflag:s14], $0x80  }
0x6c: {  	[sflag:s14] =	ssyncset.done $0x0  }
0x6d: {  	[sflag:s14] =	ssyncadd.s32 $0xFFFFFF80  }
.Ltmp0:
0x6e: {  	_ =	swait.ge [sflag:s14], $0x80;
	(pc) =	sbr.rel @p1 .LBB2_2-.Ltmp0, $4  }
0x6f: {  	[sflag:s14] =	ssyncset.done $0x0  }
0x70: {  	[sflag:s14] =	ssyncadd.s32 $0xFFFFFF80  }
0x71: {  	_ =	swait.ge [sflag:s14], $0x80  }
0x72: {  	s17 =	smov.u32 s20;
	s16 =	sshra.s32 s19, $0x2;
	[sflag:s14] =	ssyncset.done $0x0  }
0x73: {  	s17 =	sadd.s32 $0x278, s16;
	[sflag:s14] =	ssyncadd.s32 $0xFFFFFF80  }
0x74: {  	[spmem:s1] =	stream.indirect.scatter.add.f32 [tilespmem:s13], [sflag:$0x1], $0x1, s17, s12, $0xb8;
	[tilespmem:$0x2D78] =	vst v63  }
0x75: {  	s29 =	sadd.s32 $0x2F8, s16  }
0x76: {  	[spmem:s1] =	stream.indirect.scatter.add.f32 [tilespmem:s13], [sflag:$0x1], $0x1, s29, s12, $0xb8;
	[tilespmem:$0x2D78] =	vst v63  }
0x77: {  	s30 =	sadd.s32 $0x378, s16  }
0x78: {  	[spmem:s1] =	stream.indirect.scatter.add.f32 [tilespmem:s13], [sflag:$0x1], $0x1, s30, s12, $0xb8;
	[tilespmem:$0x2D78] =	vst v63  }
0x79: {  	s31 =	sadd.s32 $0x3F8, s16  }
0x7a: {  	[spmem:s1] =	stream.indirect.scatter.add.f32 [tilespmem:s13], [sflag:$0x1], $0x1, s31, s12, $0xb8;
	[tilespmem:$0x2D78] =	vst v63  }
0x7b: {  	_ =	swait.ge [sflag:s14], $0x80  }
0x7c: {  	[sflag:s14] =	ssyncset.done $0x0  }
0x7d: {  	[sflag:s14] =	ssyncadd.s32 $0xFFFFFF80  }
0x7e: {  	_ =	swait.ge [sflag:s14], $0x80  }
0x7f: {  	[sflag:s14] =	ssyncset.done $0x0  }
0x80: {  	[sflag:s14] =	ssyncadd.s32 $0xFFFFFF80  }
0x81: {  	_ =	swait.ge [sflag:s14], $0x80  }
0x82: {  	[sflag:s14] =	ssyncset.done $0x0  }
0x83: {  	[sflag:s14] =	ssyncadd.s32 $0xFFFFFF80  }
0x84: {  	_ =	swait.ge [sflag:s14], $0x80  }
0x85: {  	[sflag:s14] =	ssyncset.done $0x0  }
0x86: {  	[sflag:s14] =	ssyncadd.s32 $0xFFFFFF80  }
0x87: {  	[bflag:$0x0] =	sbarrier.arrive $0xFFFF  }
0x88: {  	[tilespmem:s9], [sflag:$0x2] =	stream.linear.gather [spmem:s3], $0x270, $0x38;
	[tilespmem:$0x2D78] =	vst v63  }
0x89: {  	_ =	swait.ge [sflag:s10], $0x270  }
0x8a: {  	[sflag:s10] =	ssyncset.done $0x0  }
0x8b: {  	[sflag:s10] =	ssyncadd.s32 $0xFFFFFD90  }
0x8c: {  	[hbm4b:s6+s2] =	stream.linear.scatter [tilespmem:s9], [sflag:$0x2], $0x270, $0x38;
	[tilespmem:$0x2D78] =	vst v63  }
0x8d: {  	_ =	swait.ge [sflag:s10], $0x270  }
0x8e: {  	[sflag:s10] =	ssyncset.done $0x0  }
0x8f: {  	s16 =	simm.s32 @!p0 $0x2AF8;
	s17 =	simm.s32 @!p0 $0x2;
	[sflag:s10] =	ssyncadd.s32 $0xFFFFFD90  }
0x90: {  	[tilespmem:s16], [sflag:$0x2] =	stream.linear.gather @!p0 [spmem:s4], $0x10, $0x38;
	[tilespmem:$0x2D78] =	vst v63  }
0x91: {  	s15 =	sadd.s32 $0x1, s15;
	_ =	swait.ge @!p0 [sflag:s17], $0x10  }
0x92: {  	p1 =	sne.s32 s15, s8;
	[sflag:s17] =	ssyncset.done @!p0 $0x0  }
.Ltmp1:
0x93: {  	s18 =	simm.s32 @!p0 $0x0;
	[sflag:s17] =	ssyncadd.s32 @!p0 $0xFFFFFFF0;
	(pc) =	sbr.rel @p1 .LBB2_1-.Ltmp1, $4  }
0x94: {  	[hbm4b:s7+s18] =	stream.linear.scatter @!p0 [tilespmem:s16], [sflag:$0x2], $0x10, $0x38;
	[tilespmem:$0x2D78] =	vst v63  }
0x95: {  	_ =	swait.ge @!p0 [sflag:s17], $0x10  }
0x96: {  	[sflag:s17] =	ssyncset.done @!p0 $0x0  }
0x97: {  	[sflag:s17] =	ssyncadd.s32 @!p0 $0xFFFFFFF0  }
0x98: {  	_ =	sfence.sel $0x180000  }
0x99: {  	[bflag:$0x0] =	sbarrier.arrive $0xFFFF  }
0x9a: {  	_ =	strace $0x90000047  }
0x9b: {  	s0 =	sadd.s32 @!p0 $0x100000, s0;
	[bflag:$0x2] =	sbarrier.arrive $0xFFFF  }
0x9c: {  	[sflag:s0] =	ssyncadd.tile.s32 @!p0 $0x1;
	_ =	shalt  }
.Lfunc_end2:
_tile_overlayer_lowered:
.L_overlay_start_2:
0x9d: {  	(tag) =	ssettag $0x2  }
0x9e: {  	s0 =	rddreg [dreg:$0x0];
	s2 =	stileid.u32  }
0x9f: {  	s1 =	rddreg [dreg:$0x1];
	p0 =	sne.s32 s2, $0x0  }
0xa0: {  	s3 =	rddreg [dreg:$0x2];
	[bflag:$0x3] =	sbarrier.arrive $0xFFFF;
	s2 =	simm.s32 @!p0 $0x1C02  }
0xa1: {  	[timem:s3], [sflag:s2] =	dma.local @!p0 [hbm:s0], s1  }
0xa2: {  	s0 =	simm.s32 @!p0 $0x2  }
0xa3: {  	_ =	swait.ge @!p0 [sflag:s0], s1  }
0xa4: {  	s1 =	ssub.s32 @!p0 $0x0, s1;
	[sflag:s0] =	ssyncset.done @!p0 $0x0  }
0xa5: {  	[sflag:s0] =	ssyncadd.s32 @!p0 s1  }
0xa6: {  	[bflag:$0x3] =	sbarrier.arrive $0xFFFF  }
0xa7: {  	_ =	shalt  }

// kernel: kernel.9.cloned.1.call-start
scs
__scs_entry_jumppad:
0x0: {  	(pc) =	sbr.rel $0x88, $3  }
0x1: {  	(tag) =	ssettag $0x0;
	lr =	simm.s32 $0x1  }
0x2: {  	[smem:$0x3F97] =	sst lr;
	_ =	strace $0xD0000000  }
0x3: {  	_ = 	snop  }
0x4: {  	_ = 	snop  }
0x5: {  	_ = 	snop  }
0x6: {  	_ = 	snop  }
0x7: {  	_ = 	snop  }
__scs_overlays_trampoline_lowered:
0x8: {  	[smem:$0x3FA6] =	sst s0  }
0x9: {  	[smem:$0x3FA7] =	sst s1  }
0xa: {  	[smem:$0x3FA8] =	sst s2  }
0xb: {  	[smem:$0x3FA9] =	sst s3  }
0xc: {  	[smem:$0x3FAA] =	sst s4  }
0xd: {  	[smem:$0x3FAB] =	sst s5  }
0xe: {  	[smem:$0x3FAC] =	sst s6  }
0xf: {  	[smem:$0x3FAD] =	sst s7  }
0x10: {  	[smem:$0x3FAE] =	sst s8  }
0x11: {  	[smem:$0x3FAF] =	sst s9;
	s0 =	simm.s32 @!p0 $0x0  }
0x12: {  	s1 =	sld [smem:$0x3F95];
	s0 =	simm.s32 @p0 $0x1  }
0x13: {  	[smem:$0x3FB0] =	sst s0;
	s0 =	simm.s32 @!p1 $0x0  }
0x14: {  	s2 =	sld [smem:$0x3F94];
	s0 =	simm.s32 @p1 $0x1  }
0x15: {  	[smem:$0x3FB1] =	sst s0;
	s0 =	simm.s32 @!p2 $0x0  }
0x16: {  	s3 =	sld [smem:$0x3FDB];
	s0 =	simm.s32 @p2 $0x1  }
0x17: {  	s4 =	simm.s32 $0x1BF5;
	[smem:$0x3FB3] =	sst s0  }
0x18: {  	s0 =	sld [smem:$0x3F96];
	_ =	swait.ge [sflag:s4], $0x0  }
0x19: {  	s7 =	sld [smem:$0x3F97]  }
0x1a: {  	s8 =	sadd.s32 $0xFFFFE003, lr  }
0x1b: {  	s9 =	sadd.s32 $0xFFFFFEF7, lr;
	s5 =	simm.s32 $0xFFFFFFFF;
	p2 =	slt.u32 s8, $0xFFFFF086  }
0x1c: {  	p1 =	slt.u32 s9, $0xF7A;
	s5 =	simm.s32 @!p2 $0x0  }
0x1d: {  	s5 =	simm.s32 @p1 $0x1;
	p0 =	seq.s32 s7, s2  }
0x1e: {  	s7 =	smul.u32 @!p0 $0xF7A, s2;
	p2 =	seq.s32 @!p0 s5, $0x0  }
0x1f: {  	s9 =	smul.u32 $0xF7A, s1;
	s8 =	simm.s32 @!p0 $0x1BF5;
	p2 =	por !p2, p0  }
0x20: {  	[sflag:s8] =	ssyncset.s32 @!p0 $0xFFFFF086;
	s6 =	sadd.s32 @!p0 s3, s7;
	s7 =	simm.s32 @!p0 $0x108  }
0x21: {  	s3 =	sadd.s32 s3, s9;
	s6 =	sadd.s32 @!p0 $0x88, s6;
	s7 =	simm.s32 @p2 $0x1082  }
0x22: {  	[simem:s7], [sflag:s8] =	dma.local @!p0 [hbm:s6], $0xF7A  }
0x23: {  	s9 =	sor.u32 $0xD0000000, s2;
	s6 =	simm.s32 $0x108;
	_ =	swait.ge @!p0 [sflag:s8], $0x0  }
0x24: {  	s3 =	sadd.s32 $0x88, s3;
	s6 =	simm.s32 @!p1 $0x1082;
	[sflag:s4] =	ssyncset.s32 $0xFFFFF086  }
0x25: {  	[simem:s6], [sflag:s4] =	dma.local [hbm:s3], $0xF7A  }
0x26: {  	[smem:$0x3F97] =	sst s1;
	(tag) =	ssettag s2;
	_ =	strace s9  }
0x27: {  	s1 =	sld [smem:$0x3FA7]  }
0x28: {  	s2 =	sld [smem:$0x3FA8]  }
0x29: {  	s4 =	sld [smem:$0x3FAA]  }
0x2a: {  	p0 =	seq.s32 s5, $0x0;
	s5 =	sld [smem:$0x3FAB]  }
0x2b: {  	s6 =	sld [smem:$0x3FAC]  }
0x2c: {  	s7 =	sld [smem:$0x3FAD]  }
0x2d: {  	s3 =	simm.s32 $0x108;
	s8 =	sld [smem:$0x3FAE]  }
0x2e: {  	s3 =	simm.s32 @!p0 $0x1082;
	s9 =	sld [smem:$0x3FAF]  }
0x2f: {  	lr =	sadd.s32 s0, s3;
	s0 =	sld [smem:$0x3FA6]  }
0x30: {  	s3 =	sld [smem:$0x3FA9]  }
0x31: {  	[smem:$0x3FB2] =	sst s10  }
0x32: {  	s10 =	sld [smem:$0x3FB0];
	_ =	sdelay $0x3  }
0x33: {  	p0 =	seq.s32 s10, $0x1;
	s10 =	sld [smem:$0x3FB2];
	_ =	sdelay $0x3  }
0x34: {  	[smem:$0x3FB2] =	sst s10  }
0x35: {  	s10 =	sld [smem:$0x3FB1];
	_ =	sdelay $0x3  }
0x36: {  	p1 =	seq.s32 s10, $0x1;
	s10 =	sld [smem:$0x3FB2];
	_ =	sdelay $0x3  }
0x37: {  	[smem:$0x3FB2] =	sst s10  }
0x38: {  	s10 =	sld [smem:$0x3FB3]  }
0x39: {  	_ = 	snop;
	(pc) =	sbr.ind lr, $3  }
0x3a: {  	_ = 	snop  }
0x3b: {  	_ = 	snop  }
0x3c: {  	p2 =	seq.s32 s10, $0x1;
	s10 =	sld [smem:$0x3FB2]  }
0x3d: {  	_ =	shalt  }
0x3e: {  	_ =	shalt  }
0x3f: {  	_ =	shalt  }
0x40: {  	_ =	shalt  }
0x41: {  	_ =	shalt  }
0x42: {  	_ =	shalt  }
0x43: {  	_ =	shalt  }
0x44: {  	_ =	shalt  }
0x45: {  	_ =	shalt  }
0x46: {  	_ =	shalt  }
0x47: {  	_ =	shalt  }
0x48: {  	_ =	shalt  }
0x49: {  	_ =	shalt  }
0x4a: {  	_ =	shalt  }
0x4b: {  	_ =	shalt  }
0x4c: {  	_ =	shalt  }
0x4d: {  	_ =	shalt  }
0x4e: {  	_ =	shalt  }
0x4f: {  	_ =	shalt  }
0x50: {  	_ =	shalt  }
0x51: {  	_ =	shalt  }
0x52: {  	_ =	shalt  }
0x53: {  	_ =	shalt  }
0x54: {  	_ =	shalt  }
0x55: {  	_ =	shalt  }
0x56: {  	_ =	shalt  }
0x57: {  	_ =	shalt  }
0x58: {  	_ =	shalt  }
0x59: {  	_ =	shalt  }
0x5a: {  	_ =	shalt  }
0x5b: {  	_ =	shalt  }
0x5c: {  	_ =	shalt  }
0x5d: {  	_ =	shalt  }
0x5e: {  	_ =	shalt  }
0x5f: {  	_ =	shalt  }
0x60: {  	_ =	shalt  }
0x61: {  	_ =	shalt  }
0x62: {  	_ =	shalt  }
0x63: {  	_ =	shalt  }
0x64: {  	_ =	shalt  }
0x65: {  	_ =	shalt  }
0x66: {  	_ =	shalt  }
0x67: {  	_ =	shalt  }
0x68: {  	_ =	shalt  }
0x69: {  	_ =	shalt  }
0x6a: {  	_ =	shalt  }
0x6b: {  	_ =	shalt  }
0x6c: {  	_ =	shalt  }
0x6d: {  	_ =	shalt  }
0x6e: {  	_ =	shalt  }
0x6f: {  	_ =	shalt  }
0x70: {  	_ =	shalt  }
0x71: {  	_ =	shalt  }
0x72: {  	_ =	shalt  }
0x73: {  	_ =	shalt  }
0x74: {  	_ =	shalt  }
0x75: {  	_ =	shalt  }
0x76: {  	_ =	shalt  }
0x77: {  	_ =	shalt  }
0x78: {  	_ =	shalt  }
0x79: {  	_ =	shalt  }
0x7a: {  	_ =	shalt  }
0x7b: {  	_ =	shalt  }
0x7c: {  	_ =	shalt  }
0x7d: {  	_ =	shalt  }
0x7e: {  	_ =	shalt  }
0x7f: {  	_ =	shalt  }
0x80: {  	_ =	shalt  }
0x81: {  	_ =	shalt  }
0x82: {  	_ =	shalt  }
0x83: {  	_ =	shalt  }
0x84: {  	_ =	shalt  }
0x85: {  	_ =	shalt  }
0x86: {  	_ =	shalt  }
0x87: {  	_ =	shalt  }
.Lfunc_end0:
.L_simem_size_0:
called_computation.1_lowered:
.L_overlay_start_0:
0x88: {  	s2 =	sld [smem:$0x3FD9]  }
0x89: {  	s3 =	sld [smem:$0x3FFE];
	_ =	sdelay $0x1  }
0x8a: {  	s1 =	srdreg.scid  }
0x8b: {  	s0 =	sand.u32 $0x1, s1  }
0x8c: {  	s17 =	sshll.u32 s0, $0xA;
	s2 =	sadd.s32 s3, s2  }
0x8d: {  	s2 =	sadd.s32 s2, s17  }
0x8e: {  	[smem:$0x3FBE] =	sst s2  }
0x8f: {  	_ = 	snop  }
0x90: {  	s2 =	sld [smem:$0x3FD0];
	(tm) =	ssettm $0x1  }
0x91: {  	s18 =	sld [smem:$0x3FFB];
	_ =	sdelay $0x3  }
0x92: {  	_ =	strace s18  }
0x93: {  	s3 =	sld [smem:$0x3FFC];
	_ =	sdelay $0x3  }
0x94: {  	_ =	strace s3  }
0x95: {  	s3 =	sld [smem:$0x3FFD];
	_ =	sdelay $0x3  }
0x96: {  	_ =	strace s3  }
0x97: {  	_ =	strace $0x8FFFFFFF  }
0x98: {  	s19 =	sld [smem:$0x3FDB];
	_ =	sdelay $0x1  }
0x99: {  	s4 =	simm.s32 $_scs_section_size  }
0x9a: {  	s5 =	simm.s32 $_size__tile_overlayer_lowered;
	s6 =	simm.s32 $_tile_overlayer_lowered  }
0x9b: {  	s22 =	simm.s32 $0x1BFF;
	s21 =	sshll.u32 s6, $0x1;
	s3 =	sadd.s32 s4, s19  }
0x9c: {  	s7 =	simm.s32 $0x0;
	s20 =	sshll.u32 s5, $0x1;
	s5 =	sadd.s32 s21, s3  }
0x9d: {  	[timem:s7], [sflag:s22] =	dma.local [hbm:s5], s20  }
0x9e: {  	_ =	swait.ge [sflag:s22], s20  }
0x9f: {  	s4 =	ssub.s32 $0x0, s20;
	[sflag:s22] =	ssyncset.done $0x0  }
0xa0: {  	[sflag:s22] =	ssyncadd.s32 s4;
	_ =	sdelay $0x1  }
0xa1: {  	s23 =	simm.s32 $0x1B8B  }
0xa2: {  	_ =	swait.ge [sflag:s23], $0x1  }
0xa3: {  	[sflag:s23] =	ssyncset.done $0x0  }
0xa4: {  	s25 =	simm.s32 $0x1B8E;
	s24 =	sld [smem:$0x3FFE];
	[sflag:s23] =	ssyncadd.s32 $0xFFFFFFFF  }
0xa5: {  	s26 =	simm.s32 $execute0_lowered;
	[smem:$0x3FD2] =	sst s25  }
0xa6: {  	s5 =	sshll.u32 s26, $0x1;
	_ =	strace $0x80000049;
	[dreg:$0x1] =	wrdreg $0xFFFFFFFF  }
0xa7: {  	s28 =	simm.s32 $_size_execute0_lowered;
	s3 =	sadd.s32 s3, s5;
	[dreg:$0x0] =	wrdreg $0x0  }
0xa8: {  	s5 =	sshll.u32 s28, $0x1;
	[dreg:$0x2] =	wrdreg s3  }
0xa9: {  	[dreg:$0x3] =	wrdreg s5  }
0xaa: {  	[dreg:$0x4] =	wrdreg $0xC0  }
0xab: {  	_ =	task [dreg:s7], $0x5FFFF  }
0xac: {  	[dreg:$0x1] =	wrdreg $0xFFFFFFFF  }
0xad: {  	[dreg:$0x0] =	wrdreg $0x60  }
0xae: {  	[dreg:$0x2] =	wrdreg s24  }
0xaf: {  	[dreg:$0x3] =	wrdreg s2  }
0xb0: {  	[dreg:$0x4] =	wrdreg $0x0  }
0xb1: {  	[dreg:$0x5] =	wrdreg $0x9  }
0xb2: {  	_ =	task.clear_ibuf [dreg:s7], $0x6FFFF;
	_ =	strace $0x90000049  }
0xb3: {  	s29 =	simm.s32 $0x9;
	_ =	strace $0x8000004B  }
0xb4: {  	_ =	swait.ge [sflag:s29], $0x1  }
0xb5: {  	[sflag:s29] =	ssyncadd.s32 $0xFFFFFFFF  }
0xb6: {  	_ =	strace $0x9000004B  }
0xb7: {  	_ =	sfence  }
0xb8: {  	s30 =	sld [smem:$0x0];
	_ =	sdelay $0x2  }
0xb9: {  	s31 =	sshll.u32 s1, $0xD;
	s1 =	sshrl.u32 s1, $0x2  }
0xba: {  	s3 =	sand.u32 $0x4000, s31;
	s1 =	sadd.s32 s1, s30  }
0xbb: {  	s0 =	sor.u32 s3, s0;
	s1 =	sshll.u32 s1, $0x11  }
0xbc: {  	s0 =	sor.u32 s1, s0  }
0xbd: {  	s0 =	sadd.s32 $0x8F2B, s0  }
0xbe: {  	[sflag:s0] =	ssyncadd.remote.s32 $0x1  }
0xbf: {  	_ =	sfence.sel $0xFFFF  }
0xc0: {  	[dreg:$0x0] =	wrdreg $0xFFFFFFFF;
	(pc) =	sbr.abs _section_cstart, $3  }
0xc1: {  	[dreg:$0x1] =	wrdreg $0xFFFFFFFF  }
0xc2: {  	_ =	task.clear_ibuf [dreg:s7], $0x2FFFF;
	_ =	strace $0x9FFFFFFF  }
0xc3: {  	(tm) =	ssettm $0x7FFFFFFF  }
tec
execute0_lowered:
.L_overlay_start_1:
0x0: {  	(tag) =	ssettag $0x1  }
0x1: {  	s0 =	rddreg [dreg:$0x0]  }
0x2: {  	s4 =	rddreg [dreg:$0x1]  }
0x3: {  	s1 =	rddreg [dreg:$0x2]  }
0x4: {  	s2 =	simm.s32 $0x0;
	s5 =	srdreg.scid;
	s12 =	stileid.u32  }
0x5: {  	[smem:$0x7FF] =	sst s2;
	s3 =	sadd.s32 $0xC800, s0;
	s6 =	sadd.s32 $0x2800, s0  }
0x6: {  	s5 =	sand.u32 $0x1, s5;
	s7 =	sshll.u32 s12, $0x1;
	s9 =	smul.u32 $0x4E000, s12  }
0x7: {  	s0 =	sadd.s32 $0x33E00, s0;
	s11 =	smul.u32 $0x13800, s12;
	p0 =	sne.s32 s12, $0x0  }
0x8: {  	s12 =	simm.s32 $0x80;
	_ =	strace $0x8000004A;
	s8 =	ssub.s32 $0x2, s5  }
0x9: {  	s7 =	sor.u32 s5, s7;
	s26 =	smul.u32 $0x138800, s5;
	s10 =	sshrl.u32 s8, $0x1  }
0xa: {  	s7 =	smul.u32 $0x2800, s7;
	s9 =	sshrl.u32 s9, $0x2;
	s8 =	ssub.s32 s8, s10  }
0xb: {  	s5 =	sadd.s32 s9, s1;
	s11 =	sadd.s32 s11, s26;
	s10 =	sshrl.u32 s26, $0x3  }
0xc: {  	s14 =	sshrl.u32 s7, $0x3;
	s15 =	sadd.s32 $0x13000, s5;
	s7 =	sadd.s32 $0x138000, s1  }
0xd: {  	s17 =	sshrl.u32 s11, $0x3;
	s19 =	smax.u32 s8, $0x1;
	s20 =	sadd.s32 $0x1000, s5  }
0xe: {  	s21 =	sadd.s32 $0x2000, s5;
	s22 =	sadd.s32 $0x3000, s5;
	[dreg:$0x4] =	wrdreg s15  }
0xf: {  	s23 =	sadd.s32 $0x4000, s5;
	s24 =	sadd.s32 $0x5000, s5;
	[dreg:$0xb] =	wrdreg s19  }
0x10: {  	s25 =	sadd.s32 $0x6000, s5;
	s26 =	sadd.s32 $0x7000, s5;
	[dreg:$0xc] =	wrdreg s20  }
0x11: {  	s28 =	sadd.s32 $0xD000, s5;
	s29 =	sadd.s32 $0xE000, s5;
	[dreg:$0xd] =	wrdreg s21  }
0x12: {  	s30 =	sadd.s32 $0xF000, s5;
	s31 =	sadd.s32 $0x10000, s5;
	[dreg:$0xe] =	wrdreg s22  }
0x13: {  	s8 =	simm.s32 $0x3;
	s11 =	simm.s32 $0x1;
	[dreg:$0xf] =	wrdreg s23  }
0x14: {  	s13 =	sadd.s32 s6, s14;
	s16 =	sadd.s32 s4, s14;
	[dreg:$0x10] =	wrdreg s24  }
0x15: {  	s9 =	sadd.s32 $0x280, s14;
	s18 =	sadd.s32 s0, s17;
	[dreg:$0x11] =	wrdreg s25  }
0x16: {  	s0 =	sadd.s32 s0, s10;
	[dreg:$0x12] =	wrdreg s26;
	s22 =	sadd.s32 $0x8000, s5  }
0x17: {  	s23 =	sadd.s32 $0x9000, s5;
	s24 =	sadd.s32 $0xA000, s5;
	s25 =	sadd.s32 $0xB000, s5  }
0x18: {  	s26 =	sadd.s32 $0xC000, s5;
	s10 =	simm.s32 $0x14C80;
	[dreg:$0x5] =	wrdreg s13  }
0x19: {  	s14 =	simm.s32 $0x13900;
	s15 =	simm.s32 $0x1A080;
	[dreg:$0x6] =	wrdreg s16  }
0x1a: {  	s17 =	simm.s32 $0x15F80;
	s6 =	sadd.s32 s6, s9;
	[dreg:$0x9] =	wrdreg s18  }
0x1b: {  	s4 =	sadd.s32 s4, s9;
	s0 =	sadd.s32 $0x27000, s0;
	[dreg:$0x7] =	wrdreg s6  }
0x1c: {  	s9 =	simm.s32 $0x13880;
	s13 =	simm.s32 $0x16080;
	[dreg:$0x8] =	wrdreg s4  }
0x1d: {  	s16 =	simm.s32 $0x2;
	s18 =	simm.s32 $0x16000;
	[dreg:$0xa] =	wrdreg s0  }
0x1e: {  	v0 =	vimm.f32 $0.0e+00;
	s0 =	sadd.s32 $0x11000, s5;
	s4 =	sadd.s32 $0x12000, s5;
	s6 =	simm.s32 $0x1E080  }
.LBB2_1:
0x1f: {  	s19 =	simm.s32 $0x0;
	s20 =	simm.s32 $0x200  }
.LBB2_2:
0x20: {  	p1 =	sne.s32 s20, $0x3E00;
	[tilespmem:s19+$0x1E0F0] =	vst v0  }
0x21: {  	[tilespmem:s19+$0x1E080] =	vst v0  }
0x22: {  	[tilespmem:s19+$0x1E090] =	vst v0  }
.Ltmp0:
0x23: {  	[tilespmem:s19+$0x1E0A0] =	vst v0;
	(pc) =	sbr.rel @p1 .LBB2_2-.Ltmp0, $4  }
0x24: {  	[tilespmem:s19+$0x1E0B0] =	vst v0  }
0x25: {  	[tilespmem:s19+$0x1E0C0] =	vst v0  }
0x26: {  	[tilespmem:s19+$0x1E0D0] =	vst v0  }
0x27: {  	[tilespmem:s19+$0x1E0E0] =	vst v0;
	s19 =	sshra.s32 s20, $0x2;
	s20 =	sadd.s32 $0x200, s20  }
0x28: {  	[tilespmem:s19+$0x1E0F0] =	vst v0  }
0x29: {  	[tilespmem:s19+$0x1E080] =	vst v0  }
0x2a: {  	[tilespmem:s19+$0x1E090] =	vst v0  }
0x2b: {  	[tilespmem:s19+$0x1E0A0] =	vst v0  }
0x2c: {  	[tilespmem:s19+$0x1E0B0] =	vst v0  }
0x2d: {  	[tilespmem:s19+$0x1E0C0] =	vst v0  }
0x2e: {  	[tilespmem:s19+$0x1E0D0] =	vst v0  }
0x2f: {  	[tilespmem:s19+$0x1E0E0] =	vst v0  }
0x30: {  	[spmem:s5] =	stream.linear.scatter [tilespmem:s6], [sflag:$0x1], $0x1000, $0x38;
	[tilespmem:$0x1F080] =	vst v63  }
0x31: {  	s21 =	rddreg [dreg:$0xc]  }
0x32: {  	[spmem:s21] =	stream.linear.scatter [tilespmem:s6], [sflag:$0x1], $0x1000, $0x38;
	[tilespmem:$0x1F080] =	vst v63  }
0x33: {  	s20 =	rddreg [dreg:$0xd]  }
0x34: {  	[spmem:s20] =	stream.linear.scatter [tilespmem:s6], [sflag:$0x1], $0x1000, $0x38;
	[tilespmem:$0x1F080] =	vst v63  }
0x35: {  	s21 =	rddreg [dreg:$0xe]  }
0x36: {  	[spmem:s21] =	stream.linear.scatter [tilespmem:s6], [sflag:$0x1], $0x1000, $0x38;
	[tilespmem:$0x1F080] =	vst v63  }
0x37: {  	s20 =	rddreg [dreg:$0xf]  }
0x38: {  	[spmem:s20] =	stream.linear.scatter [tilespmem:s6], [sflag:$0x1], $0x1000, $0x38;
	[tilespmem:$0x1F080] =	vst v63  }
0x39: {  	s21 =	rddreg [dreg:$0x10]  }
0x3a: {  	[spmem:s21] =	stream.linear.scatter [tilespmem:s6], [sflag:$0x1], $0x1000, $0x38;
	[tilespmem:$0x1F080] =	vst v63  }
0x3b: {  	s20 =	rddreg [dreg:$0x11]  }
0x3c: {  	[spmem:s20] =	stream.linear.scatter [tilespmem:s6], [sflag:$0x1], $0x1000, $0x38;
	[tilespmem:$0x1F080] =	vst v63  }
0x3d: {  	s21 =	rddreg [dreg:$0x12]  }
0x3e: {  	[spmem:s21] =	stream.linear.scatter [tilespmem:s6], [sflag:$0x1], $0x1000, $0x38;
	[tilespmem:$0x1F080] =	vst v63  }
0x3f: {  	_ = 	snop  }
0x40: {  	[spmem:s22] =	stream.linear.scatter [tilespmem:s6], [sflag:$0x1], $0x1000, $0x38;
	[tilespmem:$0x1F080] =	vst v63  }
0x41: {  	_ = 	snop  }
0x42: {  	[spmem:s23] =	stream.linear.scatter [tilespmem:s6], [sflag:$0x1], $0x1000, $0x38;
	[tilespmem:$0x1F080] =	vst v63  }
0x43: {  	_ = 	snop  }
0x44: {  	[spmem:s24] =	stream.linear.scatter [tilespmem:s6], [sflag:$0x1], $0x1000, $0x38;
	[tilespmem:$0x1F080] =	vst v63  }
0x45: {  	_ = 	snop  }
0x46: {  	[spmem:s25] =	stream.linear.scatter [tilespmem:s6], [sflag:$0x1], $0x1000, $0x38;
	[tilespmem:$0x1F080] =	vst v63  }
0x47: {  	_ = 	snop  }
0x48: {  	[spmem:s26] =	stream.linear.scatter [tilespmem:s6], [sflag:$0x1], $0x1000, $0x38;
	[tilespmem:$0x1F080] =	vst v63  }
0x49: {  	_ = 	snop  }
0x4a: {  	[spmem:s28] =	stream.linear.scatter [tilespmem:s6], [sflag:$0x1], $0x1000, $0x38;
	[tilespmem:$0x1F080] =	vst v63  }
0x4b: {  	_ = 	snop  }
0x4c: {  	[spmem:s29] =	stream.linear.scatter [tilespmem:s6], [sflag:$0x1], $0x1000, $0x38;
	[tilespmem:$0x1F080] =	vst v63  }
0x4d: {  	_ = 	snop  }
0x4e: {  	[spmem:s30] =	stream.linear.scatter [tilespmem:s6], [sflag:$0x1], $0x1000, $0x38;
	[tilespmem:$0x1F080] =	vst v63  }
0x4f: {  	_ = 	snop  }
0x50: {  	[spmem:s31] =	stream.linear.scatter [tilespmem:s6], [sflag:$0x1], $0x1000, $0x38;
	[tilespmem:$0x1F080] =	vst v63  }
0x51: {  	_ = 	snop  }
0x52: {  	[spmem:s0] =	stream.linear.scatter [tilespmem:s6], [sflag:$0x1], $0x1000, $0x38;
	[tilespmem:$0x1F080] =	vst v63  }
0x53: {  	_ = 	snop  }
0x54: {  	[spmem:s4] =	stream.linear.scatter [tilespmem:s6], [sflag:$0x1], $0x1000, $0x38;
	[tilespmem:$0x1F080] =	vst v63  }
0x55: {  	s20 =	rddreg [dreg:$0x4]  }
0x56: {  	[spmem:s20] =	stream.linear.scatter [tilespmem:s6], [sflag:$0x3], $0x800, $0x38;
	[tilespmem:$0x1F080] =	vst v63  }
0x57: {  	_ =	swait.ge [sflag:s8], $0x800  }
0x58: {  	[sflag:s8] =	ssyncset.done $0x0  }
0x59: {  	s19 =	simm.s32 @!p0 $0x1E080;
	[sflag:s8] =	ssyncadd.s32 $0xFFFFF800  }
0x5a: {  	[spmem:s7] =	stream.linear.scatter @!p0 [tilespmem:s19], [sflag:$0x3], $0x800, $0x38;
	[tilespmem:$0x1F080] =	vst v63  }
0x5b: {  	s19 =	simm.s32 @!p0 $0x3  }
0x5c: {  	_ =	swait.ge @!p0 [sflag:s19], $0x800  }
0x5d: {  	[sflag:s19] =	ssyncset.done @!p0 $0x0  }
0x5e: {  	s20 =	rddreg [dreg:$0x5];
	[sflag:s19] =	ssyncadd.s32 @!p0 $0xFFFFF800;
	s19 =	simm.s32 $0x0  }
0x5f: {  	[tilespmem:s9], [sflag:$0x3] =	stream.linear.gather [hbm4b:s20+s19], $0x1400, $0x38;
	[tilespmem:$0x1F080] =	vst v63  }
0x60: {  	_ =	swait.ge [sflag:s8], $0x1400  }
0x61: {  	[sflag:s8] =	ssyncset.done $0x0  }
0x62: {  	s21 =	rddreg [dreg:$0x6];
	[sflag:s8] =	ssyncadd.s32 $0xFFFFEC00  }
0x63: {  	[tilespmem:s10], [sflag:$0x3] =	stream.linear.gather [hbm4b:s21+s19], $0x1400, $0x38;
	[tilespmem:$0x1F080] =	vst v63  }
0x64: {  	_ =	swait.ge [sflag:s8], $0x1400  }
0x65: {  	[sflag:s8] =	ssyncset.done $0x0  }
0x66: {  	[sflag:s8] =	ssyncadd.s32 $0xFFFFEC00  }
0x67: {  	_ =	swait.ge [sflag:s11], $0x1000  }
0x68: {  	[sflag:s11] =	ssyncset.done $0x0  }
0x69: {  	[sflag:s11] =	ssyncadd.s32 $0xFFFFF000  }
0x6a: {  	_ =	swait.ge [sflag:s11], $0x1000  }
0x6b: {  	[sflag:s11] =	ssyncset.done $0x0  }
0x6c: {  	[sflag:s11] =	ssyncadd.s32 $0xFFFFF000  }
0x6d: {  	_ =	swait.ge [sflag:s11], $0x1000  }
0x6e: {  	[sflag:s11] =	ssyncset.done $0x0  }
0x6f: {  	[sflag:s11] =	ssyncadd.s32 $0xFFFFF000  }
0x70: {  	_ =	swait.ge [sflag:s11], $0x1000  }
0x71: {  	[sflag:s11] =	ssyncset.done $0x0  }
0x72: {  	[sflag:s11] =	ssyncadd.s32 $0xFFFFF000  }
0x73: {  	_ =	swait.ge [sflag:s11], $0x1000  }
0x74: {  	[sflag:s11] =	ssyncset.done $0x0  }
0x75: {  	[sflag:s11] =	ssyncadd.s32 $0xFFFFF000  }
0x76: {  	_ =	swait.ge [sflag:s11], $0x1000  }
0x77: {  	[sflag:s11] =	ssyncset.done $0x0  }
0x78: {  	[sflag:s11] =	ssyncadd.s32 $0xFFFFF000  }
0x79: {  	_ =	swait.ge [sflag:s11], $0x1000  }
0x7a: {  	[sflag:s11] =	ssyncset.done $0x0  }
0x7b: {  	[sflag:s11] =	ssyncadd.s32 $0xFFFFF000  }
0x7c: {  	_ =	swait.ge [sflag:s11], $0x1000  }
0x7d: {  	[sflag:s11] =	ssyncset.done $0x0  }
0x7e: {  	[sflag:s11] =	ssyncadd.s32 $0xFFFFF000  }
0x7f: {  	_ =	swait.ge [sflag:s11], $0x1000  }
0x80: {  	[sflag:s11] =	ssyncset.done $0x0  }
0x81: {  	[sflag:s11] =	ssyncadd.s32 $0xFFFFF000  }
0x82: {  	_ =	swait.ge [sflag:s11], $0x1000  }
0x83: {  	[sflag:s11] =	ssyncset.done $0x0  }
0x84: {  	[sflag:s11] =	ssyncadd.s32 $0xFFFFF000  }
0x85: {  	_ =	swait.ge [sflag:s11], $0x1000  }
0x86: {  	[sflag:s11] =	ssyncset.done $0x0  }
0x87: {  	[sflag:s11] =	ssyncadd.s32 $0xFFFFF000  }
0x88: {  	_ =	swait.ge [sflag:s11], $0x1000  }
0x89: {  	[sflag:s11] =	ssyncset.done $0x0  }
0x8a: {  	[sflag:s11] =	ssyncadd.s32 $0xFFFFF000  }
0x8b: {  	_ =	swait.ge [sflag:s11], $0x1000  }
0x8c: {  	[sflag:s11] =	ssyncset.done $0x0  }
0x8d: {  	[sflag:s11] =	ssyncadd.s32 $0xFFFFF000  }
0x8e: {  	_ =	swait.ge [sflag:s11], $0x1000  }
0x8f: {  	[sflag:s11] =	ssyncset.done $0x0  }
0x90: {  	[sflag:s11] =	ssyncadd.s32 $0xFFFFF000  }
0x91: {  	_ =	swait.ge [sflag:s11], $0x1000  }
0x92: {  	[sflag:s11] =	ssyncset.done $0x0  }
0x93: {  	[sflag:s11] =	ssyncadd.s32 $0xFFFFF000  }
0x94: {  	_ =	swait.ge [sflag:s11], $0x1000  }
0x95: {  	[sflag:s11] =	ssyncset.done $0x0  }
0x96: {  	[sflag:s11] =	ssyncadd.s32 $0xFFFFF000  }
0x97: {  	_ =	swait.ge [sflag:s11], $0x1000  }
0x98: {  	[sflag:s11] =	ssyncset.done $0x0  }
0x99: {  	[sflag:s11] =	ssyncadd.s32 $0xFFFFF000  }
0x9a: {  	_ =	swait.ge [sflag:s11], $0x1000  }
0x9b: {  	[sflag:s11] =	ssyncset.done $0x0  }
0x9c: {  	[sflag:s11] =	ssyncadd.s32 $0xFFFFF000  }
0x9d: {  	_ =	swait.ge [sflag:s11], $0x1000  }
0x9e: {  	[sflag:s11] =	ssyncset.done $0x0  }
0x9f: {  	[sflag:s11] =	ssyncadd.s32 $0xFFFFF000  }
0xa0: {  	[bflag:$0x0] =	sbarrier.arrive $0xFFFF  }
0xa1: {  	[tilespmem:s13], [sflag:$0x1] =	stream.indirect.gather [hbm4b:s3+s12], $0x80, s9, s12, $0xb8;
	[tilespmem:$0x1F080] =	vst v63  }
0xa2: {  	_ = 	snop  }
0xa3: {  	[tilespmem:s15], [sflag:$0x2] =	stream.indirect.gather [hbm4b:s3+s12], $0x80, s14, s12, $0xb8;
	[tilespmem:$0x1F080] =	vst v63  }
0xa4: {  	_ =	swait.ge [sflag:s11], $0x4000  }
0xa5: {  	[sflag:s11] =	ssyncset.done $0x0  }
0xa6: {  	s21 =	simm.s32 $0x14C80;
	[sflag:s11] =	ssyncadd.s32 $0xFFFFC000  }
0xa7: {  	[spmem:s1] =	stream.indirect.scatter.add.f32 [tilespmem:s13], [sflag:$0x3], $0x80, s21, s12, $0xb8;
	[tilespmem:$0x1F080] =	vst v63  }
0xa8: {  	_ =	swait.ge [sflag:s8], $0x4000  }
0xa9: {  	[sflag:s8] =	ssyncset.done $0x0  }
0xaa: {  	s20 =	simm.s32 $0x13980;
	[sflag:s8] =	ssyncadd.s32 $0xFFFFC000  }
0xab: {  	[tilespmem:s13], [sflag:$0x1] =	stream.indirect.gather [hbm4b:s3+s12], $0x80, s20, s12, $0xb8;
	[tilespmem:$0x1F080] =	vst v63  }
0xac: {  	_ =	swait.ge [sflag:s16], $0x4000  }
0xad: {  	[sflag:s16] =	ssyncset.done $0x0  }
0xae: {  	s21 =	simm.s32 $0x14D00;
	[sflag:s16] =	ssyncadd.s32 $0xFFFFC000  }
0xaf: {  	[spmem:s1] =	stream.indirect.scatter.add.f32 [tilespmem:s15], [sflag:$0x3], $0x80, s21, s12, $0xb8;
	[tilespmem:$0x1F080] =	vst v63  }
0xb0: {  	_ =	swait.ge [sflag:s8], $0x4000  }
0xb1: {  	[sflag:s8] =	ssyncset.done $0x0  }
0xb2: {  	s19 =	simm.s32 $0x400;
	s20 =	simm.s32 $0x13A00;
	[sflag:s8] =	ssyncadd.s32 $0xFFFFC000  }
.LBB2_4:
0xb3: {  	[tilespmem:s15], [sflag:$0x2] =	stream.indirect.gather [hbm4b:s3+s12], $0x80, s20, s12, $0xb8;
	[tilespmem:$0x1F080] =	vst v63  }
0xb4: {  	s20 =	smov.u32 s19  }
0xb5: {  	p1 =	sne.s32 s19, $0x4800;
	s19 =	sadd.s32 $0x400, s19;
	_ =	swait.ge [sflag:s11], $0x4000  }
0xb6: {  	s20 =	sshra.s32 s20, $0x2;
	[sflag:s11] =	ssyncset.done $0x0  }
0xb7: {  	s21 =	sadd.s32 $0x14C80, s20;
	[sflag:s11] =	ssyncadd.s32 $0xFFFFC000  }
0xb8: {  	[spmem:s1] =	stream.indirect.scatter.add.f32 [tilespmem:s13], [sflag:$0x3], $0x80, s21, s12, $0xb8;
	[tilespmem:$0x1F080] =	vst v63  }
0xb9: {  	_ =	swait.ge [sflag:s8], $0x4000  }
0xba: {  	[sflag:s8] =	ssyncset.done $0x0  }
0xbb: {  	s21 =	sadd.s32 $0x13980, s20;
	[sflag:s8] =	ssyncadd.s32 $0xFFFFC000  }
0xbc: {  	[tilespmem:s13], [sflag:$0x1] =	stream.indirect.gather [hbm4b:s3+s12], $0x80, s21, s12, $0xb8;
	[tilespmem:$0x1F080] =	vst v63  }
0xbd: {  	_ =	swait.ge [sflag:s16], $0x4000  }
0xbe: {  	[sflag:s16] =	ssyncset.done $0x0  }
.Ltmp1:
0xbf: {  	s21 =	sadd.s32 $0x14D00, s20;
	[sflag:s16] =	ssyncadd.s32 $0xFFFFC000;
	(pc) =	sbr.rel @p1 .LBB2_4-.Ltmp1, $4  }
0xc0: {  	[spmem:s1] =	stream.indirect.scatter.add.f32 [tilespmem:s15], [sflag:$0x3], $0x80, s21, s12, $0xb8;
	[tilespmem:$0x1F080] =	vst v63  }
0xc1: {  	_ =	swait.ge [sflag:s8], $0x4000  }
0xc2: {  	[sflag:s8] =	ssyncset.done $0x0  }
0xc3: {  	s20 =	sadd.s32 $0x13A00, s20;
	[sflag:s8] =	ssyncadd.s32 $0xFFFFC000  }
0xc4: {  	[tilespmem:s15], [sflag:$0x2] =	stream.indirect.gather [hbm4b:s3+s12], $0x80, s20, s12, $0xb8;
	[tilespmem:$0x1F080] =	vst v63  }
0xc5: {  	_ =	swait.ge [sflag:s11], $0x4000  }
0xc6: {  	[sflag:s11] =	ssyncset.done $0x0  }
0xc7: {  	[sflag:s11] =	ssyncadd.s32 $0xFFFFC000  }
0xc8: {  	[spmem:s1] =	stream.indirect.scatter.add.f32 [tilespmem:s13], [sflag:$0x3], $0x80, s17, s12, $0xb8;
	[tilespmem:$0x1F080] =	vst v63  }
0xc9: {  	_ =	swait.ge [sflag:s8], $0x4000  }
0xca: {  	[sflag:s8] =	ssyncset.done $0x0  }
0xcb: {  	[sflag:s8] =	ssyncadd.s32 $0xFFFFC000  }
0xcc: {  	_ =	swait.ge [sflag:s16], $0x4000  }
0xcd: {  	[sflag:s16] =	ssyncset.done $0x0  }
0xce: {  	[sflag:s16] =	ssyncadd.s32 $0xFFFFC000  }
0xcf: {  	[spmem:s1] =	stream.indirect.scatter.add.f32 [tilespmem:s15], [sflag:$0x3], $0x80, s18, s12, $0xb8;
	[tilespmem:$0x1F080] =	vst v63  }
0xd0: {  	_ =	swait.ge [sflag:s8], $0x4000  }
0xd1: {  	[sflag:s8] =	ssyncset.done $0x0  }
0xd2: {  	s19 =	simm.s32 $0x0;
	s21 =	rddreg [dreg:$0x7];
	[sflag:s8] =	ssyncadd.s32 $0xFFFFC000  }
0xd3: {  	[tilespmem:s9], [sflag:$0x3] =	stream.linear.gather [hbm4b:s21+s19], $0x1400, $0x38;
	[tilespmem:$0x1F080] =	vst v63  }
0xd4: {  	_ =	swait.ge [sflag:s8], $0x1400  }
0xd5: {  	[sflag:s8] =	ssyncset.done $0x0  }
0xd6: {  	s21 =	rddreg [dreg:$0x8];
	[sflag:s8] =	ssyncadd.s32 $0xFFFFEC00  }
0xd7: {  	[tilespmem:s10], [sflag:$0x3] =	stream.linear.gather [hbm4b:s21+s19], $0x1400, $0x38;
	[tilespmem:$0x1F080] =	vst v63  }
0xd8: {  	_ =	swait.ge [sflag:s8], $0x1400  }
0xd9: {  	[sflag:s8] =	ssyncset.done $0x0  }
0xda: {  	[sflag:s8] =	ssyncadd.s32 $0xFFFFEC00  }
0xdb: {  	[tilespmem:s13], [sflag:$0x1] =	stream.indirect.gather [hbm4b:s3+s12], $0x80, s9, s12, $0xb8;
	[tilespmem:$0x1F080] =	vst v63  }
0xdc: {  	_ = 	snop  }
0xdd: {  	[tilespmem:s15], [sflag:$0x2] =	stream.indirect.gather [hbm4b:s3+s12], $0x80, s14, s12, $0xb8;
	[tilespmem:$0x1F080] =	vst v63  }
0xde: {  	_ =	swait.ge [sflag:s11], $0x4000  }
0xdf: {  	[sflag:s11] =	ssyncset.done $0x0  }
0xe0: {  	s21 =	simm.s32 $0x14C80;
	[sflag:s11] =	ssyncadd.s32 $0xFFFFC000  }
0xe1: {  	[spmem:s1] =	stream.indirect.scatter.add.f32 [tilespmem:s13], [sflag:$0x3], $0x80, s21, s12, $0xb8;
	[tilespmem:$0x1F080] =	vst v63  }
0xe2: {  	_ =	swait.ge [sflag:s8], $0x4000  }
0xe3: {  	[sflag:s8] =	ssyncset.done $0x0  }
0xe4: {  	s20 =	simm.s32 $0x13980;
	[sflag:s8] =	ssyncadd.s32 $0xFFFFC000  }
0xe5: {  	[tilespmem:s13], [sflag:$0x1] =	stream.indirect.gather [hbm4b:s3+s12], $0x80, s20, s12, $0xb8;
	[tilespmem:$0x1F080] =	vst v63  }
0xe6: {  	_ =	swait.ge [sflag:s16], $0x4000  }
0xe7: {  	[sflag:s16] =	ssyncset.done $0x0  }
0xe8: {  	s21 =	simm.s32 $0x14D00;
	[sflag:s16] =	ssyncadd.s32 $0xFFFFC000  }
0xe9: {  	[spmem:s1] =	stream.indirect.scatter.add.f32 [tilespmem:s15], [sflag:$0x3], $0x80, s21, s12, $0xb8;
	[tilespmem:$0x1F080] =	vst v63  }
0xea: {  	_ =	swait.ge [sflag:s8], $0x4000  }
0xeb: {  	[sflag:s8] =	ssyncset.done $0x0  }
0xec: {  	s19 =	simm.s32 $0x400;
	s20 =	simm.s32 $0x13A00;
	[sflag:s8] =	ssyncadd.s32 $0xFFFFC000  }
.LBB2_6:
0xed: {  	[tilespmem:s15], [sflag:$0x2] =	stream.indirect.gather [hbm4b:s3+s12], $0x80, s20, s12, $0xb8;
	[tilespmem:$0x1F080] =	vst v63  }
0xee: {  	s20 =	smov.u32 s19  }
0xef: {  	p1 =	sne.s32 s19, $0x4800;
	s19 =	sadd.s32 $0x400, s19;
	_ =	swait.ge [sflag:s11], $0x4000  }
0xf0: {  	s20 =	sshra.s32 s20, $0x2;
	[sflag:s11] =	ssyncset.done $0x0  }
0xf1: {  	s21 =	sadd.s32 $0x14C80, s20;
	[sflag:s11] =	ssyncadd.s32 $0xFFFFC000  }
0xf2: {  	[spmem:s1] =	stream.indirect.scatter.add.f32 [tilespmem:s13], [sflag:$0x3], $0x80, s21, s12, $0xb8;
	[tilespmem:$0x1F080] =	vst v63  }
0xf3: {  	_ =	swait.ge [sflag:s8], $0x4000  }
0xf4: {  	[sflag:s8] =	ssyncset.done $0x0  }
0xf5: {  	s21 =	sadd.s32 $0x13980, s20;
	[sflag:s8] =	ssyncadd.s32 $0xFFFFC000  }
0xf6: {  	[tilespmem:s13], [sflag:$0x1] =	stream.indirect.gather [hbm4b:s3+s12], $0x80, s21, s12, $0xb8;
	[tilespmem:$0x1F080] =	vst v63  }
0xf7: {  	_ =	swait.ge [sflag:s16], $0x4000  }
0xf8: {  	[sflag:s16] =	ssyncset.done $0x0  }
.Ltmp2:
0xf9: {  	s21 =	sadd.s32 $0x14D00, s20;
	[sflag:s16] =	ssyncadd.s32 $0xFFFFC000;
	(pc) =	sbr.rel @p1 .LBB2_6-.Ltmp2, $4  }
0xfa: {  	[spmem:s1] =	stream.indirect.scatter.add.f32 [tilespmem:s15], [sflag:$0x3], $0x80, s21, s12, $0xb8;
	[tilespmem:$0x1F080] =	vst v63  }
0xfb: {  	_ =	swait.ge [sflag:s8], $0x4000  }
0xfc: {  	[sflag:s8] =	ssyncset.done $0x0  }
0xfd: {  	s20 =	sadd.s32 $0x13A00, s20;
	[sflag:s8] =	ssyncadd.s32 $0xFFFFC000  }
0xfe: {  	[tilespmem:s15], [sflag:$0x2] =	stream.indirect.gather [hbm4b:s3+s12], $0x80, s20, s12, $0xb8;
	[tilespmem:$0x1F080] =	vst v63  }
0xff: {  	_ =	swait.ge [sflag:s11], $0x4000  }
0x100: {  	[sflag:s11] =	ssyncset.done $0x0  }
0x101: {  	[sflag:s11] =	ssyncadd.s32 $0xFFFFC000  }
0x102: {  	[spmem:s1] =	stream.indirect.scatter.add.f32 [tilespmem:s13], [sflag:$0x3], $0x80, s17, s12, $0xb8;
	[tilespmem:$0x1F080] =	vst v63  }
0x103: {  	_ =	swait.ge [sflag:s8], $0x4000  }
0x104: {  	[sflag:s8] =	ssyncset.done $0x0  }
0x105: {  	[sflag:s8] =	ssyncadd.s32 $0xFFFFC000  }
0x106: {  	_ =	swait.ge [sflag:s16], $0x4000  }
0x107: {  	[sflag:s16] =	ssyncset.done $0x0  }
0x108: {  	[sflag:s16] =	ssyncadd.s32 $0xFFFFC000  }
0x109: {  	[spmem:s1] =	stream.indirect.scatter.add.f32 [tilespmem:s15], [sflag:$0x3], $0x80, s18, s12, $0xb8;
	[tilespmem:$0x1F080] =	vst v63  }
0x10a: {  	_ =	swait.ge [sflag:s8], $0x4000  }
0x10b: {  	[sflag:s8] =	ssyncset.done $0x0  }
0x10c: {  	s19 =	stileid.u32;
	[sflag:s8] =	ssyncadd.s32 $0xFFFFC000  }
0x10d: {  	s19 =	sshll.u32 s19, $0x6;
	[bflag:$0x0] =	sbarrier.arrive $0xFFFF  }
0x10e: {  	s20 =	sshrl.u32 s5, $0x3;
	s19 =	sor.u32 $0x1C03, s19;
	s21 =	rddreg [dreg:$0x9]  }
0x10f: {  	[hbm:s21], [sflag:s19] =	dma.local [spmem:s20], $0x2700  }
0x110: {  	_ =	swait.ge [sflag:s8], $0x2700  }
0x111: {  	[sflag:s8] =	ssyncset.done $0x0  }
0x112: {  	s20 =	sshrl.u32 @!p0 s7, $0x3;
	s21 =	rddreg [dreg:$0xa];
	[sflag:s8] =	ssyncadd.s32 $0xFFFFD900  }
0x113: {  	[hbm:s21], [sflag:s19] =	dma.local @!p0 [spmem:s20], $0x100  }
0x114: {  	s19 =	simm.s32 @!p0 $0x3  }
0x115: {  	_ =	swait.ge @!p0 [sflag:s19], $0x100  }
0x116: {  	s2 =	sadd.s32 $0x1, s2;
	s21 =	rddreg [dreg:$0xb]  }
0x117: {  	p1 =	sne.s32 s2, s21  }
.Ltmp3:
0x118: {  	_ = 	snop;
	(pc) =	sbr.rel @p1 .LBB2_1-.Ltmp3, $3  }
0x119: {  	_ =	sdelay $0x1  }
0x11a: {  	[sflag:s19] =	ssyncset.done @!p0 $0x0  }
0x11b: {  	[sflag:s19] =	ssyncadd.s32 @!p0 $0xFFFFFF00  }
0x11c: {  	_ =	sfence.sel $0x180000  }
0x11d: {  	[bflag:$0x0] =	sbarrier.arrive $0xFFFF  }
0x11e: {  	_ =	strace $0x9000004A  }
0x11f: {  	[bflag:$0x2] =	sbarrier.arrive $0xFFFF  }
0x120: {  	s0 =	rddreg [dreg:$0x3]  }
0x121: {  	s0 =	sadd.s32 @!p0 $0x100000, s0  }
0x122: {  	[sflag:s0] =	ssyncadd.tile.s32 @!p0 $0x1;
	_ =	shalt  }
.Lfunc_end2:
_tile_overlayer_lowered:
.L_overlay_start_2:
0x123: {  	(tag) =	ssettag $0x2  }
0x124: {  	s0 =	rddreg [dreg:$0x0];
	s2 =	stileid.u32  }
0x125: {  	s1 =	rddreg [dreg:$0x1];
	p0 =	sne.s32 s2, $0x0  }
0x126: {  	s3 =	rddreg [dreg:$0x2];
	[bflag:$0x3] =	sbarrier.arrive $0xFFFF;
	s2 =	simm.s32 @!p0 $0x1C03  }
0x127: {  	[timem:s3], [sflag:s2] =	dma.local @!p0 [hbm:s0], s1  }
0x128: {  	s0 =	simm.s32 @!p0 $0x3  }
0x129: {  	_ =	swait.ge @!p0 [sflag:s0], s1  }
0x12a: {  	s1 =	ssub.s32 @!p0 $0x0, s1;
	[sflag:s0] =	ssyncset.done @!p0 $0x0  }
0x12b: {  	[sflag:s0] =	ssyncadd.s32 @!p0 s1  }
0x12c: {  	[bflag:$0x3] =	sbarrier.arrive $0xFFFF  }
0x12d: {  	_ =	shalt  }

</sc_bundles>
